<compile_context>
chip_gen: v7x
topology: tpu7x:2x2x1
jax: 0.10.2.dev20260603
libtpu: 0.0.44.dev20260713+nightly
codegen_flags: <defaults>
</compile_context>

<pallas_src>
import jax
import jax.numpy as jnp
from jax import lax
from jax.experimental import pallas as pl
from jax.experimental.pallas import tpu as pltpu
from jax.experimental.pallas import tpu_sc as plsc

N_TOKENS = 32768
D = 2048
N_SEG = 16
ROW_BLOCK = 1024
LANES = 16
WIN = 2064
N_SC = 1
CHUNK = N_TOKENS // (16 * N_SC)


def _gemv_body(b_ref, x_ref, w_ref, o_ref):
    o_ref[:] = jnp.sum(x_ref[:] * w_ref[:], axis=1, keepdims=True) + b_ref[0]


def _sc_softmax_body(strata_hbm, logits_hbm, out_hbm,
                     strata_v, win_v, row_v, tbl_v, chunk_v, tbl_sh, sem):
    c = lax.axis_index("c")
    s = lax.axis_index("s")
    lanes = lax.iota(jnp.int32, 16)
    w = s * N_SC + c
    base = pl.multiple_of(w * CHUNK, 8)
    chunk_cp = pltpu.async_copy(logits_hbm.at[pl.ds(base, CHUNK)], chunk_v, sem)
    pltpu.sync_copy(strata_hbm, strata_v)
    sv = strata_v[...]
    cum = []
    run = jnp.int32(0)
    for k in range(N_SEG):
        run = run + sv[k]
        cum.append(run)
    total = cum[N_SEG - 1]

    lo = jnp.int32(0)
    hi = sv[0]
    for k in range(1, N_SEG):
        take = k <= s
        lo = jnp.where(take, lo + sv[k - 1], lo)
        hi = jnp.where(take, hi + sv[k], hi)
    align_lo = pl.multiple_of(jnp.minimum(lo & ~7, N_TOKENS - WIN), 8)
    pltpu.sync_copy(logits_hbm.at[pl.ds(align_lo, WIN)], win_v)
    rel_lo = lo - align_lo
    rel_hi = hi - align_lo
    v0 = rel_lo >> 4
    v1 = (rel_hi + 15) >> 4
    neg = jnp.float32(-3.0e38)

    def _mx(v, acc):
        x = win_v[pl.ds(v * LANES, LANES)]
        p = v * LANES + lanes
        m = (p >= rel_lo) & (p < rel_hi)
        return jnp.maximum(acc, jnp.where(m, x, neg))

    macc = lax.fori_loop(v0, v1, _mx, jnp.full((LANES,), neg, jnp.float32))
    for sh in (8, 4, 2, 1):
        macc = jnp.maximum(macc, macc[lanes ^ sh])

    def _sm(v, acc):
        x = win_v[pl.ds(v * LANES, LANES)]
        p = v * LANES + lanes
        m = (p >= rel_lo) & (p < rel_hi)
        return acc + jnp.where(m, jnp.exp(x - macc), jnp.float32(0.0))

    sacc = lax.fori_loop(v0, v1, _sm, jnp.zeros((LANES,), jnp.float32))
    for sh in (8, 4, 2, 1):
        sacc = sacc + sacc[lanes ^ sh]
    row_v[...] = jnp.where(lanes == 0, macc,
                           jnp.where(lanes == 1, sacc, jnp.float32(0.0)))
    off = pl.multiple_of(s * LANES, 8)
    pltpu.sync_copy(row_v, tbl_sh.at[pl.ds(off, LANES)])
    plsc.subcore_barrier()
    pltpu.sync_copy(tbl_sh, tbl_v)
    chunk_cp.wait()

    mvec = jnp.zeros((LANES,), jnp.float32)
    svec = jnp.ones((LANES,), jnp.float32)
    for k in range(N_SEG):
        rk = tbl_v[pl.ds(k * LANES, LANES)]
        mvec = jnp.where(lanes == k, rk[0], mvec)
        svec = jnp.where(lanes == k, rk[1], svec)
    rvec = jnp.float32(1.0) / svec

    def _out(v, carry):
        x = chunk_v[pl.ds(v * LANES, LANES)]
        p = base + v * LANES + lanes
        seg = jnp.zeros((LANES,), jnp.int32)
        for k in range(N_SEG - 1):
            seg = seg + jnp.where(p >= cum[k], 1, 0)
        m = mvec[seg]
        r = rvec[seg]
        chunk_v[pl.ds(v * LANES, LANES)] = jnp.where(
            p < total, jnp.exp(x - m) * r, x)
        return carry

    lax.fori_loop(0, CHUNK // LANES, _out, 0)
    pltpu.sync_copy(chunk_v, out_hbm.at[pl.ds(base, CHUNK)])


@jax.jit
def kernel(X, strata, W, b):
    wrow = W.reshape(1, D)
    logits = pl.pallas_call(
        _gemv_body,
        grid=(N_TOKENS // ROW_BLOCK,),
        in_specs=[
            pl.BlockSpec(memory_space=pltpu.SMEM),
            pl.BlockSpec((ROW_BLOCK, D), lambda i: (i, 0)),
            pl.BlockSpec((1, D), lambda i: (0, 0)),
        ],
        out_specs=pl.BlockSpec((ROW_BLOCK, 1), lambda i: (i, 0)),
        out_shape=jax.ShapeDtypeStruct((N_TOKENS, 1), jnp.float32),
    )(b, X, wrow)
    out = pl.kernel(
        _sc_softmax_body,
        out_type=jax.ShapeDtypeStruct((N_TOKENS,), jnp.float32),
        mesh=plsc.VectorSubcoreMesh(core_axis_name="c", subcore_axis_name="s",
                                    num_cores=N_SC),
        scratch_types=[
            pltpu.VMEM((N_SEG,), jnp.int32),
            pltpu.VMEM((WIN,), jnp.float32),
            pltpu.VMEM((LANES,), jnp.float32),
            pltpu.VMEM((N_SEG * LANES,), jnp.float32),
            pltpu.VMEM((CHUNK,), jnp.float32),
            pltpu.VMEM_SHARED((N_SEG * LANES,), jnp.float32),
            pltpu.SemaphoreType.DMA,
        ],
    )(strata, logits.reshape(-1))
    return out

# --- scband reference (transcript-rebuilt; emitter-appended) ---
"""Pipeline reference for scband-conditional-logistic-regression-18330920419807 (READ-ONLY COPY).

The authoritative reference and input builder live on the scoring server;
editing this copy changes nothing except your own understanding.
"""

import jax, jax.numpy as jnp
import numpy as np


def _segment_softmax(logits, strata):
    # Faithful translation of the torch loop: for each stratum of length s,
    # softmax over y_hat[ix:ix+s]; tokens beyond sum(strata) are left untouched.
    N = logits.shape[0]
    B = strata.shape[0]
    cum = jnp.cumsum(strata)
    pos = jnp.arange(N)
    seg = jnp.searchsorted(cum, pos, side='right')
    mask = pos < cum[-1]
    seg_c = jnp.where(mask, seg, B)  # leftover tokens go to a dummy segment B
    seg_max = jax.ops.segment_max(logits, seg_c, num_segments=B + 1)
    m = jax.lax.stop_gradient(seg_max[seg_c])
    e = jnp.exp(logits - m)
    s = jax.ops.segment_sum(e, seg_c, num_segments=B + 1)
    prob = e / s[seg_c]
    return jnp.where(mask, prob, logits)


def setup_inputs(seed: int = 0) -> dict:
    key = jax.random.key(seed)
    kx, kw, ks = jax.random.split(key, 3)
    X = jax.random.normal(kx, (32768, 2048), dtype=jnp.float32)
    # learned params of self.linear = nn.Linear(2048, 1, bias=True)
    W = jax.random.normal(kw, (2048, 1), dtype=jnp.float32) * 0.02
    b = jnp.zeros((1,), dtype=jnp.float32)
    # ragged strata lengths (sum <= N; torch code only softmaxes the covered prefix)
    strata = jax.random.randint(ks, (16,), 1, 2048, dtype=jnp.int32)
    return {"X": X, "strata": strata, "W": W, "b": b}


def reference(X, strata, W, b):
    # y_hat = self.linear(X).squeeze()
    logits = (X @ W + b).reshape(-1)
    # per-stratum softmax over contiguous ragged segments
    return _segment_softmax(logits, strata)

if __name__ == "__main__":
    import jax
    _d = setup_inputs()
    print(jax.jit(kernel)(*tuple(_d.values())))

</pallas_src>

<mosaic_0001>
#map = affine_map<(d0, d1) -> (0)>
module attributes {stable_mosaic.version = 14 : i64} {
  func.func @_sc_softmax_body(%arg0: i32, %arg1: i32, %arg2: memref<16xi32, #tpu.memory_space<hbm>>, %arg3: memref<32768xf32, #tpu.memory_space<hbm>>, %arg4: memref<32768xf32, #tpu.memory_space<hbm>>, %arg5: memref<16xi32, #tpu.memory_space<vmem>>, %arg6: memref<2064xf32, #tpu.memory_space<vmem>>, %arg7: memref<16xf32, #tpu.memory_space<vmem>>, %arg8: memref<256xf32, #tpu.memory_space<vmem>>, %arg9: memref<2048xf32, #tpu.memory_space<vmem>>, %arg10: memref<256xf32, #tpu.memory_space<vmem_shared>>, %arg11: memref<!tpu.dma_semaphore, #tpu.memory_space<semaphore_mem>>) attributes {dimension_semantics = [#tpu.dimension_semantics<core_parallel>, #tpu.dimension_semantics<subcore_parallel>], iteration_bounds = array<i64: 1, 16>, scalar_prefetch = 0 : i64, scratch_operands = 7 : i64, tpu.core_type = #tpu.core_type<sc_vector_subcore>, window_params = [{transform_indices = #map}, {transform_indices = #map}, {transform_indices = #map}]} {
    %iota3A = tpu.iota {dimensions = array<i32: 0>} : vector<16xi32>
    %mul3A = arith.constant 1 : i32
    %mul3A_0 = arith.muli %arg1, %mul3A : i32
    %add3A = arith.addi %mul3A_0, %arg0 : i32
    %mul3A_1 = arith.constant 2048 : i32
    %mul3A_2 = arith.muli %add3A, %mul3A_1 : i32
    %multiple_of3A = tpu.assume_multiple %mul3A_2, 8 : i32
    %dma_start3A = tpu.memref_slice %arg3[%multiple_of3A] : memref<32768xf32, #tpu.memory_space<hbm>> -> memref<2048xf32, #tpu.memory_space<hbm>>
    %dma_start3A_3 = tpu.memref_slice %arg3[%multiple_of3A] : memref<32768xf32, #tpu.memory_space<hbm>> -> memref<2048xf32, #tpu.memory_space<hbm>>
    tpu.enqueue_dma source(%dma_start3A_3 : memref<2048xf32, #tpu.memory_space<hbm>>) target(%arg9 : memref<2048xf32, #tpu.memory_space<vmem>>) target_semaphore(%arg11 : memref<!tpu.dma_semaphore, #tpu.memory_space<semaphore_mem>>)
    "tpu.region"() ({
      %run_scoped3A = tpu.sem_alloc : memref<!tpu.dma_semaphore, #tpu.memory_space<semaphore_mem>>
      tpu.enqueue_dma source(%arg2 : memref<16xi32, #tpu.memory_space<hbm>>) target(%arg5 : memref<16xi32, #tpu.memory_space<vmem>>) target_semaphore(%run_scoped3A : memref<!tpu.dma_semaphore, #tpu.memory_space<semaphore_mem>>)
      tpu.wait_dma2 semaphore(%run_scoped3A : memref<!tpu.dma_semaphore, #tpu.memory_space<semaphore_mem>>) src(%arg2 : memref<16xi32, #tpu.memory_space<hbm>>) dst(%arg5 : memref<16xi32, #tpu.memory_space<vmem>>)
      tpu.yield
    }) : () -> ()
    %get3A = arith.constant 0 : index
    %get3A_4 = tpu.vector_load %arg5[%get3A] {strides = array<i32>} : memref<16xi32, #tpu.memory_space<vmem>>, vector<16xi32>,
    %get3A_5 = vector.shape_cast %get3A_4 : vector<16xi32> to vector<16xi32>
    %slice3A = vector.extract_strided_slice %get3A_5 {offsets = [0], sizes = [1], strides = [1]} : vector<16xi32> to vector<1xi32>
    %squeeze3A = vector.extract %slice3A[0] : i32 from vector<1xi32>
    %add3A_6 = arith.constant 0 : i32
    %add3A_7 = arith.addi %add3A_6, %squeeze3A : i32
    %slice3A_8 = vector.extract_strided_slice %get3A_5 {offsets = [1], sizes = [1], strides = [1]} : vector<16xi32> to vector<1xi32>
    %squeeze3A_9 = vector.extract %slice3A_8[0] : i32 from vector<1xi32>
    %add3A_10 = arith.addi %add3A_7, %squeeze3A_9 : i32
    %slice3A_11 = vector.extract_strided_slice %get3A_5 {offsets = [2], sizes = [1], strides = [1]} : vector<16xi32> to vector<1xi32>
    %squeeze3A_12 = vector.extract %slice3A_11[0] : i32 from vector<1xi32>
    %add3A_13 = arith.addi %add3A_10, %squeeze3A_12 : i32
    %slice3A_14 = vector.extract_strided_slice %get3A_5 {offsets = [3], sizes = [1], strides = [1]} : vector<16xi32> to vector<1xi32>
    %squeeze3A_15 = vector.extract %slice3A_14[0] : i32 from vector<1xi32>
    %add3A_16 = arith.addi %add3A_13, %squeeze3A_15 : i32
    %slice3A_17 = vector.extract_strided_slice %get3A_5 {offsets = [4], sizes = [1], strides = [1]} : vector<16xi32> to vector<1xi32>
    %squeeze3A_18 = vector.extract %slice3A_17[0] : i32 from vector<1xi32>
    %add3A_19 = arith.addi %add3A_16, %squeeze3A_18 : i32
    %slice3A_20 = vector.extract_strided_slice %get3A_5 {offsets = [5], sizes = [1], strides = [1]} : vector<16xi32> to vector<1xi32>
    %squeeze3A_21 = vector.extract %slice3A_20[0] : i32 from vector<1xi32>
    %add3A_22 = arith.addi %add3A_19, %squeeze3A_21 : i32
    %slice3A_23 = vector.extract_strided_slice %get3A_5 {offsets = [6], sizes = [1], strides = [1]} : vector<16xi32> to vector<1xi32>
    %squeeze3A_24 = vector.extract %slice3A_23[0] : i32 from vector<1xi32>
    %add3A_25 = arith.addi %add3A_22, %squeeze3A_24 : i32
    %slice3A_26 = vector.extract_strided_slice %get3A_5 {offsets = [7], sizes = [1], strides = [1]} : vector<16xi32> to vector<1xi32>
    %squeeze3A_27 = vector.extract %slice3A_26[0] : i32 from vector<1xi32>
    %add3A_28 = arith.addi %add3A_25, %squeeze3A_27 : i32
    %slice3A_29 = vector.extract_strided_slice %get3A_5 {offsets = [8], sizes = [1], strides = [1]} : vector<16xi32> to vector<1xi32>
    %squeeze3A_30 = vector.extract %slice3A_29[0] : i32 from vector<1xi32>
    %add3A_31 = arith.addi %add3A_28, %squeeze3A_30 : i32
    %slice3A_32 = vector.extract_strided_slice %get3A_5 {offsets = [9], sizes = [1], strides = [1]} : vector<16xi32> to vector<1xi32>
    %squeeze3A_33 = vector.extract %slice3A_32[0] : i32 from vector<1xi32>
    %add3A_34 = arith.addi %add3A_31, %squeeze3A_33 : i32
    %slice3A_35 = vector.extract_strided_slice %get3A_5 {offsets = [10], sizes = [1], strides = [1]} : vector<16xi32> to vector<1xi32>
    %squeeze3A_36 = vector.extract %slice3A_35[0] : i32 from vector<1xi32>
    %add3A_37 = arith.addi %add3A_34, %squeeze3A_36 : i32
    %slice3A_38 = vector.extract_strided_slice %get3A_5 {offsets = [11], sizes = [1], strides = [1]} : vector<16xi32> to vector<1xi32>
    %squeeze3A_39 = vector.extract %slice3A_38[0] : i32 from vector<1xi32>
    %add3A_40 = arith.addi %add3A_37, %squeeze3A_39 : i32
    %slice3A_41 = vector.extract_strided_slice %get3A_5 {offsets = [12], sizes = [1], strides = [1]} : vector<16xi32> to vector<1xi32>
    %squeeze3A_42 = vector.extract %slice3A_41[0] : i32 from vector<1xi32>
    %add3A_43 = arith.addi %add3A_40, %squeeze3A_42 : i32
    %slice3A_44 = vector.extract_strided_slice %get3A_5 {offsets = [13], sizes = [1], strides = [1]} : vector<16xi32> to vector<1xi32>
    %squeeze3A_45 = vector.extract %slice3A_44[0] : i32 from vector<1xi32>
    %add3A_46 = arith.addi %add3A_43, %squeeze3A_45 : i32
    %slice3A_47 = vector.extract_strided_slice %get3A_5 {offsets = [14], sizes = [1], strides = [1]} : vector<16xi32> to vector<1xi32>
    %squeeze3A_48 = vector.extract %slice3A_47[0] : i32 from vector<1xi32>
    %add3A_49 = arith.addi %add3A_46, %squeeze3A_48 : i32
    %slice3A_50 = vector.extract_strided_slice %get3A_5 {offsets = [15], sizes = [1], strides = [1]} : vector<16xi32> to vector<1xi32>
    %squeeze3A_51 = vector.extract %slice3A_50[0] : i32 from vector<1xi32>
    %add3A_52 = arith.addi %add3A_49, %squeeze3A_51 : i32
    %slice3A_53 = vector.extract_strided_slice %get3A_5 {offsets = [0], sizes = [1], strides = [1]} : vector<16xi32> to vector<1xi32>
    %squeeze3A_54 = vector.extract %slice3A_53[0] : i32 from vector<1xi32>
    %ge3A = arith.constant 1 : i32
    %ge3A_55 = arith.cmpi sge, %arg1, %ge3A : i32
    %slice3A_56 = vector.extract_strided_slice %get3A_5 {offsets = [0], sizes = [1], strides = [1]} : vector<16xi32> to vector<1xi32>
    %squeeze3A_57 = vector.extract %slice3A_56[0] : i32 from vector<1xi32>
    %add3A_58 = arith.constant 0 : i32
    %add3A_59 = arith.addi %add3A_58, %squeeze3A_57 : i32
    %jit3A = arith.constant 0 : i32
    %select_n3A = arith.select %ge3A_55, %add3A_59, %jit3A : i32
    %slice3A_60 = vector.extract_strided_slice %get3A_5 {offsets = [1], sizes = [1], strides = [1]} : vector<16xi32> to vector<1xi32>
    %squeeze3A_61 = vector.extract %slice3A_60[0] : i32 from vector<1xi32>
    %add3A_62 = arith.addi %squeeze3A_54, %squeeze3A_61 : i32
    %select_n3A_63 = arith.select %ge3A_55, %add3A_62, %squeeze3A_54 : i32
    %ge3A_64 = arith.constant 2 : i32
    %ge3A_65 = arith.cmpi sge, %arg1, %ge3A_64 : i32
    %slice3A_66 = vector.extract_strided_slice %get3A_5 {offsets = [1], sizes = [1], strides = [1]} : vector<16xi32> to vector<1xi32>
    %squeeze3A_67 = vector.extract %slice3A_66[0] : i32 from vector<1xi32>
    %add3A_68 = arith.addi %select_n3A, %squeeze3A_67 : i32
    %select_n3A_69 = arith.select %ge3A_65, %add3A_68, %select_n3A : i32
    %slice3A_70 = vector.extract_strided_slice %get3A_5 {offsets = [2], sizes = [1], strides = [1]} : vector<16xi32> to vector<1xi32>
    %squeeze3A_71 = vector.extract %slice3A_70[0] : i32 from vector<1xi32>
    %add3A_72 = arith.addi %select_n3A_63, %squeeze3A_71 : i32
    %select_n3A_73 = arith.select %ge3A_65, %add3A_72, %select_n3A_63 : i32
    %ge3A_74 = arith.constant 3 : i32
    %ge3A_75 = arith.cmpi sge, %arg1, %ge3A_74 : i32
    %slice3A_76 = vector.extract_strided_slice %get3A_5 {offsets = [2], sizes = [1], strides = [1]} : vector<16xi32> to vector<1xi32>
    %squeeze3A_77 = vector.extract %slice3A_76[0] : i32 from vector<1xi32>
    %add3A_78 = arith.addi %select_n3A_69, %squeeze3A_77 : i32
    %select_n3A_79 = arith.select %ge3A_75, %add3A_78, %select_n3A_69 : i32
    %slice3A_80 = vector.extract_strided_slice %get3A_5 {offsets = [3], sizes = [1], strides = [1]} : vector<16xi32> to vector<1xi32>
    %squeeze3A_81 = vector.extract %slice3A_80[0] : i32 from vector<1xi32>
    %add3A_82 = arith.addi %select_n3A_73, %squeeze3A_81 : i32
    %select_n3A_83 = arith.select %ge3A_75, %add3A_82, %select_n3A_73 : i32
    %ge3A_84 = arith.constant 4 : i32
    %ge3A_85 = arith.cmpi sge, %arg1, %ge3A_84 : i32
    %slice3A_86 = vector.extract_strided_slice %get3A_5 {offsets = [3], sizes = [1], strides = [1]} : vector<16xi32> to vector<1xi32>
    %squeeze3A_87 = vector.extract %slice3A_86[0] : i32 from vector<1xi32>
    %add3A_88 = arith.addi %select_n3A_79, %squeeze3A_87 : i32
    %select_n3A_89 = arith.select %ge3A_85, %add3A_88, %select_n3A_79 : i32
    %slice3A_90 = vector.extract_strided_slice %get3A_5 {offsets = [4], sizes = [1], strides = [1]} : vector<16xi32> to vector<1xi32>
    %squeeze3A_91 = vector.extract %slice3A_90[0] : i32 from vector<1xi32>
    %add3A_92 = arith.addi %select_n3A_83, %squeeze3A_91 : i32
    %select_n3A_93 = arith.select %ge3A_85, %add3A_92, %select_n3A_83 : i32
    %ge3A_94 = arith.constant 5 : i32
    %ge3A_95 = arith.cmpi sge, %arg1, %ge3A_94 : i32
    %slice3A_96 = vector.extract_strided_slice %get3A_5 {offsets = [4], sizes = [1], strides = [1]} : vector<16xi32> to vector<1xi32>
    %squeeze3A_97 = vector.extract %slice3A_96[0] : i32 from vector<1xi32>
    %add3A_98 = arith.addi %select_n3A_89, %squeeze3A_97 : i32
    %select_n3A_99 = arith.select %ge3A_95, %add3A_98, %select_n3A_89 : i32
    %slice3A_100 = vector.extract_strided_slice %get3A_5 {offsets = [5], sizes = [1], strides = [1]} : vector<16xi32> to vector<1xi32>
    %squeeze3A_101 = vector.extract %slice3A_100[0] : i32 from vector<1xi32>
    %add3A_102 = arith.addi %select_n3A_93, %squeeze3A_101 : i32
    %select_n3A_103 = arith.select %ge3A_95, %add3A_102, %select_n3A_93 : i32
    %ge3A_104 = arith.constant 6 : i32
    %ge3A_105 = arith.cmpi sge, %arg1, %ge3A_104 : i32
    %slice3A_106 = vector.extract_strided_slice %get3A_5 {offsets = [5], sizes = [1], strides = [1]} : vector<16xi32> to vector<1xi32>
    %squeeze3A_107 = vector.extract %slice3A_106[0] : i32 from vector<1xi32>
    %add3A_108 = arith.addi %select_n3A_99, %squeeze3A_107 : i32
    %select_n3A_109 = arith.select %ge3A_105, %add3A_108, %select_n3A_99 : i32
    %slice3A_110 = vector.extract_strided_slice %get3A_5 {offsets = [6], sizes = [1], strides = [1]} : vector<16xi32> to vector<1xi32>
    %squeeze3A_111 = vector.extract %slice3A_110[0] : i32 from vector<1xi32>
    %add3A_112 = arith.addi %select_n3A_103, %squeeze3A_111 : i32
    %select_n3A_113 = arith.select %ge3A_105, %add3A_112, %select_n3A_103 : i32
    %ge3A_114 = arith.constant 7 : i32
    %ge3A_115 = arith.cmpi sge, %arg1, %ge3A_114 : i32
    %slice3A_116 = vector.extract_strided_slice %get3A_5 {offsets = [6], sizes = [1], strides = [1]} : vector<16xi32> to vector<1xi32>
    %squeeze3A_117 = vector.extract %slice3A_116[0] : i32 from vector<1xi32>
    %add3A_118 = arith.addi %select_n3A_109, %squeeze3A_117 : i32
    %select_n3A_119 = arith.select %ge3A_115, %add3A_118, %select_n3A_109 : i32
    %slice3A_120 = vector.extract_strided_slice %get3A_5 {offsets = [7], sizes = [1], strides = [1]} : vector<16xi32> to vector<1xi32>
    %squeeze3A_121 = vector.extract %slice3A_120[0] : i32 from vector<1xi32>
    %add3A_122 = arith.addi %select_n3A_113, %squeeze3A_121 : i32
    %select_n3A_123 = arith.select %ge3A_115, %add3A_122, %select_n3A_113 : i32
    %ge3A_124 = arith.constant 8 : i32
    %ge3A_125 = arith.cmpi sge, %arg1, %ge3A_124 : i32
    %slice3A_126 = vector.extract_strided_slice %get3A_5 {offsets = [7], sizes = [1], strides = [1]} : vector<16xi32> to vector<1xi32>
    %squeeze3A_127 = vector.extract %slice3A_126[0] : i32 from vector<1xi32>
    %add3A_128 = arith.addi %select_n3A_119, %squeeze3A_127 : i32
    %select_n3A_129 = arith.select %ge3A_125, %add3A_128, %select_n3A_119 : i32
    %slice3A_130 = vector.extract_strided_slice %get3A_5 {offsets = [8], sizes = [1], strides = [1]} : vector<16xi32> to vector<1xi32>
    %squeeze3A_131 = vector.extract %slice3A_130[0] : i32 from vector<1xi32>
    %add3A_132 = arith.addi %select_n3A_123, %squeeze3A_131 : i32
    %select_n3A_133 = arith.select %ge3A_125, %add3A_132, %select_n3A_123 : i32
    %ge3A_134 = arith.constant 9 : i32
    %ge3A_135 = arith.cmpi sge, %arg1, %ge3A_134 : i32
    %slice3A_136 = vector.extract_strided_slice %get3A_5 {offsets = [8], sizes = [1], strides = [1]} : vector<16xi32> to vector<1xi32>
    %squeeze3A_137 = vector.extract %slice3A_136[0] : i32 from vector<1xi32>
    %add3A_138 = arith.addi %select_n3A_129, %squeeze3A_137 : i32
    %select_n3A_139 = arith.select %ge3A_135, %add3A_138, %select_n3A_129 : i32
    %slice3A_140 = vector.extract_strided_slice %get3A_5 {offsets = [9], sizes = [1], strides = [1]} : vector<16xi32> to vector<1xi32>
    %squeeze3A_141 = vector.extract %slice3A_140[0] : i32 from vector<1xi32>
    %add3A_142 = arith.addi %select_n3A_133, %squeeze3A_141 : i32
    %select_n3A_143 = arith.select %ge3A_135, %add3A_142, %select_n3A_133 : i32
    %ge3A_144 = arith.constant 10 : i32
    %ge3A_145 = arith.cmpi sge, %arg1, %ge3A_144 : i32
    %slice3A_146 = vector.extract_strided_slice %get3A_5 {offsets = [9], sizes = [1], strides = [1]} : vector<16xi32> to vector<1xi32>
    %squeeze3A_147 = vector.extract %slice3A_146[0] : i32 from vector<1xi32>
    %add3A_148 = arith.addi %select_n3A_139, %squeeze3A_147 : i32
    %select_n3A_149 = arith.select %ge3A_145, %add3A_148, %select_n3A_139 : i32
    %slice3A_150 = vector.extract_strided_slice %get3A_5 {offsets = [10], sizes = [1], strides = [1]} : vector<16xi32> to vector<1xi32>
    %squeeze3A_151 = vector.extract %slice3A_150[0] : i32 from vector<1xi32>
    %add3A_152 = arith.addi %select_n3A_143, %squeeze3A_151 : i32
    %select_n3A_153 = arith.select %ge3A_145, %add3A_152, %select_n3A_143 : i32
    %ge3A_154 = arith.constant 11 : i32
    %ge3A_155 = arith.cmpi sge, %arg1, %ge3A_154 : i32
    %slice3A_156 = vector.extract_strided_slice %get3A_5 {offsets = [10], sizes = [1], strides = [1]} : vector<16xi32> to vector<1xi32>
    %squeeze3A_157 = vector.extract %slice3A_156[0] : i32 from vector<1xi32>
    %add3A_158 = arith.addi %select_n3A_149, %squeeze3A_157 : i32
    %select_n3A_159 = arith.select %ge3A_155, %add3A_158, %select_n3A_149 : i32
    %slice3A_160 = vector.extract_strided_slice %get3A_5 {offsets = [11], sizes = [1], strides = [1]} : vector<16xi32> to vector<1xi32>
    %squeeze3A_161 = vector.extract %slice3A_160[0] : i32 from vector<1xi32>
    %add3A_162 = arith.addi %select_n3A_153, %squeeze3A_161 : i32
    %select_n3A_163 = arith.select %ge3A_155, %add3A_162, %select_n3A_153 : i32
    %ge3A_164 = arith.constant 12 : i32
    %ge3A_165 = arith.cmpi sge, %arg1, %ge3A_164 : i32
    %slice3A_166 = vector.extract_strided_slice %get3A_5 {offsets = [11], sizes = [1], strides = [1]} : vector<16xi32> to vector<1xi32>
    %squeeze3A_167 = vector.extract %slice3A_166[0] : i32 from vector<1xi32>
    %add3A_168 = arith.addi %select_n3A_159, %squeeze3A_167 : i32
    %select_n3A_169 = arith.select %ge3A_165, %add3A_168, %select_n3A_159 : i32
    %slice3A_170 = vector.extract_strided_slice %get3A_5 {offsets = [12], sizes = [1], strides = [1]} : vector<16xi32> to vector<1xi32>
    %squeeze3A_171 = vector.extract %slice3A_170[0] : i32 from vector<1xi32>
    %add3A_172 = arith.addi %select_n3A_163, %squeeze3A_171 : i32
    %select_n3A_173 = arith.select %ge3A_165, %add3A_172, %select_n3A_163 : i32
    %ge3A_174 = arith.constant 13 : i32
    %ge3A_175 = arith.cmpi sge, %arg1, %ge3A_174 : i32
    %slice3A_176 = vector.extract_strided_slice %get3A_5 {offsets = [12], sizes = [1], strides = [1]} : vector<16xi32> to vector<1xi32>
    %squeeze3A_177 = vector.extract %slice3A_176[0] : i32 from vector<1xi32>
    %add3A_178 = arith.addi %select_n3A_169, %squeeze3A_177 : i32
    %select_n3A_179 = arith.select %ge3A_175, %add3A_178, %select_n3A_169 : i32
    %slice3A_180 = vector.extract_strided_slice %get3A_5 {offsets = [13], sizes = [1], strides = [1]} : vector<16xi32> to vector<1xi32>
    %squeeze3A_181 = vector.extract %slice3A_180[0] : i32 from vector<1xi32>
    %add3A_182 = arith.addi %select_n3A_173, %squeeze3A_181 : i32
    %select_n3A_183 = arith.select %ge3A_175, %add3A_182, %select_n3A_173 : i32
    %ge3A_184 = arith.constant 14 : i32
    %ge3A_185 = arith.cmpi sge, %arg1, %ge3A_184 : i32
    %slice3A_186 = vector.extract_strided_slice %get3A_5 {offsets = [13], sizes = [1], strides = [1]} : vector<16xi32> to vector<1xi32>
    %squeeze3A_187 = vector.extract %slice3A_186[0] : i32 from vector<1xi32>
    %add3A_188 = arith.addi %select_n3A_179, %squeeze3A_187 : i32
    %select_n3A_189 = arith.select %ge3A_185, %add3A_188, %select_n3A_179 : i32
    %slice3A_190 = vector.extract_strided_slice %get3A_5 {offsets = [14], sizes = [1], strides = [1]} : vector<16xi32> to vector<1xi32>
    %squeeze3A_191 = vector.extract %slice3A_190[0] : i32 from vector<1xi32>
    %add3A_192 = arith.addi %select_n3A_183, %squeeze3A_191 : i32
    %select_n3A_193 = arith.select %ge3A_185, %add3A_192, %select_n3A_183 : i32
    %ge3A_194 = arith.constant 15 : i32
    %ge3A_195 = arith.cmpi sge, %arg1, %ge3A_194 : i32
    %slice3A_196 = vector.extract_strided_slice %get3A_5 {offsets = [14], sizes = [1], strides = [1]} : vector<16xi32> to vector<1xi32>
    %squeeze3A_197 = vector.extract %slice3A_196[0] : i32 from vector<1xi32>
    %add3A_198 = arith.addi %select_n3A_189, %squeeze3A_197 : i32
    %select_n3A_199 = arith.select %ge3A_195, %add3A_198, %select_n3A_189 : i32
    %slice3A_200 = vector.extract_strided_slice %get3A_5 {offsets = [15], sizes = [1], strides = [1]} : vector<16xi32> to vector<1xi32>
    %squeeze3A_201 = vector.extract %slice3A_200[0] : i32 from vector<1xi32>
    %add3A_202 = arith.addi %select_n3A_193, %squeeze3A_201 : i32
    %select_n3A_203 = arith.select %ge3A_195, %add3A_202, %select_n3A_193 : i32
    %and3A = arith.constant -8 : i32
    %and3A_204 = arith.andi %select_n3A_199, %and3A : i32
    %min3A = arith.constant 30704 : i32
    %min3A_205 = arith.minsi %and3A_204, %min3A : i32
    %multiple_of3A_206 = tpu.assume_multiple %min3A_205, 8 : i32
    "tpu.region"() ({
      %run_scoped3A = tpu.sem_alloc : memref<!tpu.dma_semaphore, #tpu.memory_space<semaphore_mem>>
      %dma_start3A_643 = tpu.memref_slice %arg3[%multiple_of3A_206] : memref<32768xf32, #tpu.memory_space<hbm>> -> memref<2064xf32, #tpu.memory_space<hbm>>
      %dma_start3A_644 = tpu.memref_slice %arg3[%multiple_of3A_206] : memref<32768xf32, #tpu.memory_space<hbm>> -> memref<2064xf32, #tpu.memory_space<hbm>>
      tpu.enqueue_dma source(%dma_start3A_644 : memref<2064xf32, #tpu.memory_space<hbm>>) target(%arg6 : memref<2064xf32, #tpu.memory_space<vmem>>) target_semaphore(%run_scoped3A : memref<!tpu.dma_semaphore, #tpu.memory_space<semaphore_mem>>)
      %dma_wait3A_645 = tpu.memref_slice %arg3[%multiple_of3A_206] : memref<32768xf32, #tpu.memory_space<hbm>> -> memref<2064xf32, #tpu.memory_space<hbm>>
      %dma_wait3A_646 = tpu.memref_slice %arg3[%multiple_of3A_206] : memref<32768xf32, #tpu.memory_space<hbm>> -> memref<2064xf32, #tpu.memory_space<hbm>>
      tpu.wait_dma2 semaphore(%run_scoped3A : memref<!tpu.dma_semaphore, #tpu.memory_space<semaphore_mem>>) src(%dma_wait3A_646 : memref<2064xf32, #tpu.memory_space<hbm>>) dst(%arg6 : memref<2064xf32, #tpu.memory_space<vmem>>)
      tpu.yield
    }) : () -> ()
    %sub3A = arith.subi %select_n3A_199, %multiple_of3A_206 : i32
    %sub3A_207 = arith.subi %select_n3A_203, %multiple_of3A_206 : i32
    %shift_right_arithmetic3A = arith.constant 4 : i32
    %shift_right_arithmetic3A_208 = arith.shrsi %sub3A, %shift_right_arithmetic3A : i32
    %add3A_209 = arith.constant 15 : i32
    %add3A_210 = arith.addi %sub3A_207, %add3A_209 : i32
    %shift_right_arithmetic3A_211 = arith.constant 4 : i32
    %shift_right_arithmetic3A_212 = arith.shrsi %add3A_210, %shift_right_arithmetic3A_211 : i32
    %broadcast_in_dim3A = arith.constant -3.000000e+38 : f32
    %broadcast_in_dim3A_213 = vector.broadcast %broadcast_in_dim3A : f32 to vector<16xf32>
    %while3A = arith.constant -3.000000e+38 : f32
    %while3A_214 = arith.subi %shift_right_arithmetic3A_212, %shift_right_arithmetic3A_208 : i32
    %while3A_215 = arith.addi %shift_right_arithmetic3A_208, %while3A_214 : i32
    %while3A_216 = arith.constant 1 : i32
    %while3A_217 = arith.divsi %while3A_214, %while3A_216 : i32
    %while3A_218 = arith.muli %while3A_217, %while3A_216 : i32
    %while3A_219 = arith.addi %shift_right_arithmetic3A_208, %while3A_218 : i32
    %while3A_220 = arith.constant 1 : i32
    %while3A_221 = scf.for %while3A_643 = %shift_right_arithmetic3A_208 to %while3A_219 step %while3A_220 iter_args(%while3A_644 = %broadcast_in_dim3A_213) -> (vector<16xf32>)  : i32 {
      %mul3A_645 = arith.constant 16 : i32
      %mul3A_646 = arith.muli %while3A_643, %mul3A_645 : i32
      %get3A_647 = arith.index_cast %mul3A_646 : i32 to index
      %get3A_648 = tpu.vector_load %arg6[%get3A_647] {strides = array<i32>} : memref<2064xf32, #tpu.memory_space<vmem>>, vector<16xf32>,
      %get3A_649 = vector.shape_cast %get3A_648 : vector<16xf32> to vector<16xf32>
      %mul3A_650 = arith.constant 16 : i32
      %mul3A_651 = arith.muli %while3A_643, %mul3A_650 : i32
      %add3A_652 = vector.broadcast %mul3A_651 : i32 to vector<16xi32>
      %add3A_653 = arith.addi %add3A_652, %iota3A : vector<16xi32>
      %ge3A_654 = vector.broadcast %sub3A : i32 to vector<16xi32>
      %ge3A_655 = arith.cmpi sge, %add3A_653, %ge3A_654 : vector<16xi32>
      %lt3A_656 = vector.broadcast %sub3A_207 : i32 to vector<16xi32>
      %lt3A_657 = arith.cmpi slt, %add3A_653, %lt3A_656 : vector<16xi32>
      %and3A_658 = arith.andi %ge3A_655, %lt3A_657 : vector<16xi1>
      %broadcast_in_dim3A_659 = vector.broadcast %while3A : f32 to vector<16xf32>
      %select_n3A_660 = arith.select %and3A_658, %get3A_649, %broadcast_in_dim3A_659 : vector<16xi1>, vector<16xf32>
      %max3A_661 = arith.maximumf %while3A_644, %select_n3A_660 : vector<16xf32>
      scf.yield %max3A_661 : vector<16xf32>
    }
    %while3A_222 = arith.constant 1 : i32
    %while3A_223 = scf.for %while3A_643 = %while3A_219 to %while3A_215 step %while3A_222 iter_args(%while3A_644 = %while3A_221) -> (vector<16xf32>)  : i32 {
      %mul3A_645 = arith.constant 16 : i32
      %mul3A_646 = arith.muli %while3A_643, %mul3A_645 : i32
      %get3A_647 = arith.index_cast %mul3A_646 : i32 to index
      %get3A_648 = tpu.vector_load %arg6[%get3A_647] {strides = array<i32>} : memref<2064xf32, #tpu.memory_space<vmem>>, vector<16xf32>,
      %get3A_649 = vector.shape_cast %get3A_648 : vector<16xf32> to vector<16xf32>
      %mul3A_650 = arith.constant 16 : i32
      %mul3A_651 = arith.muli %while3A_643, %mul3A_650 : i32
      %add3A_652 = vector.broadcast %mul3A_651 : i32 to vector<16xi32>
      %add3A_653 = arith.addi %add3A_652, %iota3A : vector<16xi32>
      %ge3A_654 = vector.broadcast %sub3A : i32 to vector<16xi32>
      %ge3A_655 = arith.cmpi sge, %add3A_653, %ge3A_654 : vector<16xi32>
      %lt3A_656 = vector.broadcast %sub3A_207 : i32 to vector<16xi32>
      %lt3A_657 = arith.cmpi slt, %add3A_653, %lt3A_656 : vector<16xi32>
      %and3A_658 = arith.andi %ge3A_655, %lt3A_657 : vector<16xi1>
      %broadcast_in_dim3A_659 = vector.broadcast %while3A : f32 to vector<16xf32>
      %select_n3A_660 = arith.select %and3A_658, %get3A_649, %broadcast_in_dim3A_659 : vector<16xi1>, vector<16xf32>
      %max3A_661 = arith.maximumf %while3A_644, %select_n3A_660 : vector<16xf32>
      scf.yield %max3A_661 : vector<16xf32>
    }
    %xor3A = arith.constant 8 : i32
    %xor3A_224 = vector.broadcast %xor3A : i32 to vector<16xi32>
    %xor3A_225 = arith.xori %iota3A, %xor3A_224 : vector<16xi32>
    %lt3A = arith.constant 0 : i32
    %lt3A_226 = vector.broadcast %lt3A : i32 to vector<16xi32>
    %lt3A_227 = arith.cmpi slt, %xor3A_225, %lt3A_226 : vector<16xi32>
    %add3A_228 = arith.constant 16 : i32
    %add3A_229 = vector.broadcast %add3A_228 : i32 to vector<16xi32>
    %add3A_230 = arith.addi %xor3A_225, %add3A_229 : vector<16xi32>
    %select_n3A_231 = arith.select %lt3A_227, %add3A_230, %xor3A_225 : vector<16xi1>, vector<16xi32>
    %broadcast_in_dim3A_232 = vector.shape_cast %select_n3A_231 : vector<16xi32> to vector<16x1xi32>
    %gather3A = vector.shape_cast %broadcast_in_dim3A_232 : vector<16x1xi32> to vector<16xi32>
    %gather3A_233 = tpu.dynamic_gather %while3A_223[%gather3A] in [0] : vector<16xf32>, vector<16xi32> -> vector<16xf32>
    %max3A = arith.maximumf %while3A_223, %gather3A_233 : vector<16xf32>
    %xor3A_234 = arith.constant 4 : i32
    %xor3A_235 = vector.broadcast %xor3A_234 : i32 to vector<16xi32>
    %xor3A_236 = arith.xori %iota3A, %xor3A_235 : vector<16xi32>
    %lt3A_237 = arith.constant 0 : i32
    %lt3A_238 = vector.broadcast %lt3A_237 : i32 to vector<16xi32>
    %lt3A_239 = arith.cmpi slt, %xor3A_236, %lt3A_238 : vector<16xi32>
    %add3A_240 = arith.constant 16 : i32
    %add3A_241 = vector.broadcast %add3A_240 : i32 to vector<16xi32>
    %add3A_242 = arith.addi %xor3A_236, %add3A_241 : vector<16xi32>
    %select_n3A_243 = arith.select %lt3A_239, %add3A_242, %xor3A_236 : vector<16xi1>, vector<16xi32>
    %broadcast_in_dim3A_244 = vector.shape_cast %select_n3A_243 : vector<16xi32> to vector<16x1xi32>
    %gather3A_245 = vector.shape_cast %broadcast_in_dim3A_244 : vector<16x1xi32> to vector<16xi32>
    %gather3A_246 = tpu.dynamic_gather %max3A[%gather3A_245] in [0] : vector<16xf32>, vector<16xi32> -> vector<16xf32>
    %max3A_247 = arith.maximumf %max3A, %gather3A_246 : vector<16xf32>
    %xor3A_248 = arith.constant 2 : i32
    %xor3A_249 = vector.broadcast %xor3A_248 : i32 to vector<16xi32>
    %xor3A_250 = arith.xori %iota3A, %xor3A_249 : vector<16xi32>
    %lt3A_251 = arith.constant 0 : i32
    %lt3A_252 = vector.broadcast %lt3A_251 : i32 to vector<16xi32>
    %lt3A_253 = arith.cmpi slt, %xor3A_250, %lt3A_252 : vector<16xi32>
    %add3A_254 = arith.constant 16 : i32
    %add3A_255 = vector.broadcast %add3A_254 : i32 to vector<16xi32>
    %add3A_256 = arith.addi %xor3A_250, %add3A_255 : vector<16xi32>
    %select_n3A_257 = arith.select %lt3A_253, %add3A_256, %xor3A_250 : vector<16xi1>, vector<16xi32>
    %broadcast_in_dim3A_258 = vector.shape_cast %select_n3A_257 : vector<16xi32> to vector<16x1xi32>
    %gather3A_259 = vector.shape_cast %broadcast_in_dim3A_258 : vector<16x1xi32> to vector<16xi32>
    %gather3A_260 = tpu.dynamic_gather %max3A_247[%gather3A_259] in [0] : vector<16xf32>, vector<16xi32> -> vector<16xf32>
    %max3A_261 = arith.maximumf %max3A_247, %gather3A_260 : vector<16xf32>
    %xor3A_262 = arith.constant 1 : i32
    %xor3A_263 = vector.broadcast %xor3A_262 : i32 to vector<16xi32>
    %xor3A_264 = arith.xori %iota3A, %xor3A_263 : vector<16xi32>
    %lt3A_265 = arith.constant 0 : i32
    %lt3A_266 = vector.broadcast %lt3A_265 : i32 to vector<16xi32>
    %lt3A_267 = arith.cmpi slt, %xor3A_264, %lt3A_266 : vector<16xi32>
    %add3A_268 = arith.constant 16 : i32
    %add3A_269 = vector.broadcast %add3A_268 : i32 to vector<16xi32>
    %add3A_270 = arith.addi %xor3A_264, %add3A_269 : vector<16xi32>
    %select_n3A_271 = arith.select %lt3A_267, %add3A_270, %xor3A_264 : vector<16xi1>, vector<16xi32>
    %broadcast_in_dim3A_272 = vector.shape_cast %select_n3A_271 : vector<16xi32> to vector<16x1xi32>
    %gather3A_273 = vector.shape_cast %broadcast_in_dim3A_272 : vector<16x1xi32> to vector<16xi32>
    %gather3A_274 = tpu.dynamic_gather %max3A_261[%gather3A_273] in [0] : vector<16xf32>, vector<16xi32> -> vector<16xf32>
    %max3A_275 = arith.maximumf %max3A_261, %gather3A_274 : vector<16xf32>
    %broadcast_in_dim3A_276 = arith.constant 0.000000e+00 : f32
    %broadcast_in_dim3A_277 = vector.broadcast %broadcast_in_dim3A_276 : f32 to vector<16xf32>
    %while3A_278 = arith.subi %shift_right_arithmetic3A_212, %shift_right_arithmetic3A_208 : i32
    %while3A_279 = arith.addi %shift_right_arithmetic3A_208, %while3A_278 : i32
    %while3A_280 = arith.constant 1 : i32
    %while3A_281 = arith.divsi %while3A_278, %while3A_280 : i32
    %while3A_282 = arith.muli %while3A_281, %while3A_280 : i32
    %while3A_283 = arith.addi %shift_right_arithmetic3A_208, %while3A_282 : i32
    %while3A_284 = arith.constant 1 : i32
    %while3A_285 = scf.for %while3A_643 = %shift_right_arithmetic3A_208 to %while3A_283 step %while3A_284 iter_args(%while3A_644 = %broadcast_in_dim3A_277) -> (vector<16xf32>)  : i32 {
      %mul3A_645 = arith.constant 16 : i32
      %mul3A_646 = arith.muli %while3A_643, %mul3A_645 : i32
      %get3A_647 = arith.index_cast %mul3A_646 : i32 to index
      %get3A_648 = tpu.vector_load %arg6[%get3A_647] {strides = array<i32>} : memref<2064xf32, #tpu.memory_space<vmem>>, vector<16xf32>,
      %get3A_649 = vector.shape_cast %get3A_648 : vector<16xf32> to vector<16xf32>
      %mul3A_650 = arith.constant 16 : i32
      %mul3A_651 = arith.muli %while3A_643, %mul3A_650 : i32
      %add3A_652 = vector.broadcast %mul3A_651 : i32 to vector<16xi32>
      %add3A_653 = arith.addi %add3A_652, %iota3A : vector<16xi32>
      %ge3A_654 = vector.broadcast %sub3A : i32 to vector<16xi32>
      %ge3A_655 = arith.cmpi sge, %add3A_653, %ge3A_654 : vector<16xi32>
      %lt3A_656 = vector.broadcast %sub3A_207 : i32 to vector<16xi32>
      %lt3A_657 = arith.cmpi slt, %add3A_653, %lt3A_656 : vector<16xi32>
      %and3A_658 = arith.andi %ge3A_655, %lt3A_657 : vector<16xi1>
      %sub3A_659 = arith.subf %get3A_649, %max3A_275 : vector<16xf32>
      %exp3A = math.exp %sub3A_659 : vector<16xf32>
      %jit3A_660 = arith.constant 0.000000e+00 : f32
      %broadcast_in_dim3A_661 = vector.broadcast %jit3A_660 : f32 to vector<16xf32>
      %select_n3A_662 = arith.select %and3A_658, %exp3A, %broadcast_in_dim3A_661 : vector<16xi1>, vector<16xf32>
      %add3A_663 = arith.addf %while3A_644, %select_n3A_662 : vector<16xf32>
      scf.yield %add3A_663 : vector<16xf32>
    }
    %while3A_286 = arith.constant 1 : i32
    %while3A_287 = scf.for %while3A_643 = %while3A_283 to %while3A_279 step %while3A_286 iter_args(%while3A_644 = %while3A_285) -> (vector<16xf32>)  : i32 {
      %mul3A_645 = arith.constant 16 : i32
      %mul3A_646 = arith.muli %while3A_643, %mul3A_645 : i32
      %get3A_647 = arith.index_cast %mul3A_646 : i32 to index
      %get3A_648 = tpu.vector_load %arg6[%get3A_647] {strides = array<i32>} : memref<2064xf32, #tpu.memory_space<vmem>>, vector<16xf32>,
      %get3A_649 = vector.shape_cast %get3A_648 : vector<16xf32> to vector<16xf32>
      %mul3A_650 = arith.constant 16 : i32
      %mul3A_651 = arith.muli %while3A_643, %mul3A_650 : i32
      %add3A_652 = vector.broadcast %mul3A_651 : i32 to vector<16xi32>
      %add3A_653 = arith.addi %add3A_652, %iota3A : vector<16xi32>
      %ge3A_654 = vector.broadcast %sub3A : i32 to vector<16xi32>
      %ge3A_655 = arith.cmpi sge, %add3A_653, %ge3A_654 : vector<16xi32>
      %lt3A_656 = vector.broadcast %sub3A_207 : i32 to vector<16xi32>
      %lt3A_657 = arith.cmpi slt, %add3A_653, %lt3A_656 : vector<16xi32>
      %and3A_658 = arith.andi %ge3A_655, %lt3A_657 : vector<16xi1>
      %sub3A_659 = arith.subf %get3A_649, %max3A_275 : vector<16xf32>
      %exp3A = math.exp %sub3A_659 : vector<16xf32>
      %jit3A_660 = arith.constant 0.000000e+00 : f32
      %broadcast_in_dim3A_661 = vector.broadcast %jit3A_660 : f32 to vector<16xf32>
      %select_n3A_662 = arith.select %and3A_658, %exp3A, %broadcast_in_dim3A_661 : vector<16xi1>, vector<16xf32>
      %add3A_663 = arith.addf %while3A_644, %select_n3A_662 : vector<16xf32>
      scf.yield %add3A_663 : vector<16xf32>
    }
    %xor3A_288 = arith.constant 8 : i32
    %xor3A_289 = vector.broadcast %xor3A_288 : i32 to vector<16xi32>
    %xor3A_290 = arith.xori %iota3A, %xor3A_289 : vector<16xi32>
    %lt3A_291 = arith.constant 0 : i32
    %lt3A_292 = vector.broadcast %lt3A_291 : i32 to vector<16xi32>
    %lt3A_293 = arith.cmpi slt, %xor3A_290, %lt3A_292 : vector<16xi32>
    %add3A_294 = arith.constant 16 : i32
    %add3A_295 = vector.broadcast %add3A_294 : i32 to vector<16xi32>
    %add3A_296 = arith.addi %xor3A_290, %add3A_295 : vector<16xi32>
    %select_n3A_297 = arith.select %lt3A_293, %add3A_296, %xor3A_290 : vector<16xi1>, vector<16xi32>
    %broadcast_in_dim3A_298 = vector.shape_cast %select_n3A_297 : vector<16xi32> to vector<16x1xi32>
    %gather3A_299 = vector.shape_cast %broadcast_in_dim3A_298 : vector<16x1xi32> to vector<16xi32>
    %gather3A_300 = tpu.dynamic_gather %while3A_287[%gather3A_299] in [0] : vector<16xf32>, vector<16xi32> -> vector<16xf32>
    %add3A_301 = arith.addf %while3A_287, %gather3A_300 : vector<16xf32>
    %xor3A_302 = arith.constant 4 : i32
    %xor3A_303 = vector.broadcast %xor3A_302 : i32 to vector<16xi32>
    %xor3A_304 = arith.xori %iota3A, %xor3A_303 : vector<16xi32>
    %lt3A_305 = arith.constant 0 : i32
    %lt3A_306 = vector.broadcast %lt3A_305 : i32 to vector<16xi32>
    %lt3A_307 = arith.cmpi slt, %xor3A_304, %lt3A_306 : vector<16xi32>
    %add3A_308 = arith.constant 16 : i32
    %add3A_309 = vector.broadcast %add3A_308 : i32 to vector<16xi32>
    %add3A_310 = arith.addi %xor3A_304, %add3A_309 : vector<16xi32>
    %select_n3A_311 = arith.select %lt3A_307, %add3A_310, %xor3A_304 : vector<16xi1>, vector<16xi32>
    %broadcast_in_dim3A_312 = vector.shape_cast %select_n3A_311 : vector<16xi32> to vector<16x1xi32>
    %gather3A_313 = vector.shape_cast %broadcast_in_dim3A_312 : vector<16x1xi32> to vector<16xi32>
    %gather3A_314 = tpu.dynamic_gather %add3A_301[%gather3A_313] in [0] : vector<16xf32>, vector<16xi32> -> vector<16xf32>
    %add3A_315 = arith.addf %add3A_301, %gather3A_314 : vector<16xf32>
    %xor3A_316 = arith.constant 2 : i32
    %xor3A_317 = vector.broadcast %xor3A_316 : i32 to vector<16xi32>
    %xor3A_318 = arith.xori %iota3A, %xor3A_317 : vector<16xi32>
    %lt3A_319 = arith.constant 0 : i32
    %lt3A_320 = vector.broadcast %lt3A_319 : i32 to vector<16xi32>
    %lt3A_321 = arith.cmpi slt, %xor3A_318, %lt3A_320 : vector<16xi32>
    %add3A_322 = arith.constant 16 : i32
    %add3A_323 = vector.broadcast %add3A_322 : i32 to vector<16xi32>
    %add3A_324 = arith.addi %xor3A_318, %add3A_323 : vector<16xi32>
    %select_n3A_325 = arith.select %lt3A_321, %add3A_324, %xor3A_318 : vector<16xi1>, vector<16xi32>
    %broadcast_in_dim3A_326 = vector.shape_cast %select_n3A_325 : vector<16xi32> to vector<16x1xi32>
    %gather3A_327 = vector.shape_cast %broadcast_in_dim3A_326 : vector<16x1xi32> to vector<16xi32>
    %gather3A_328 = tpu.dynamic_gather %add3A_315[%gather3A_327] in [0] : vector<16xf32>, vector<16xi32> -> vector<16xf32>
    %add3A_329 = arith.addf %add3A_315, %gather3A_328 : vector<16xf32>
    %xor3A_330 = arith.constant 1 : i32
    %xor3A_331 = vector.broadcast %xor3A_330 : i32 to vector<16xi32>
    %xor3A_332 = arith.xori %iota3A, %xor3A_331 : vector<16xi32>
    %lt3A_333 = arith.constant 0 : i32
    %lt3A_334 = vector.broadcast %lt3A_333 : i32 to vector<16xi32>
    %lt3A_335 = arith.cmpi slt, %xor3A_332, %lt3A_334 : vector<16xi32>
    %add3A_336 = arith.constant 16 : i32
    %add3A_337 = vector.broadcast %add3A_336 : i32 to vector<16xi32>
    %add3A_338 = arith.addi %xor3A_332, %add3A_337 : vector<16xi32>
    %select_n3A_339 = arith.select %lt3A_335, %add3A_338, %xor3A_332 : vector<16xi1>, vector<16xi32>
    %broadcast_in_dim3A_340 = vector.shape_cast %select_n3A_339 : vector<16xi32> to vector<16x1xi32>
    %gather3A_341 = vector.shape_cast %broadcast_in_dim3A_340 : vector<16x1xi32> to vector<16xi32>
    %gather3A_342 = tpu.dynamic_gather %add3A_329[%gather3A_341] in [0] : vector<16xf32>, vector<16xi32> -> vector<16xf32>
    %add3A_343 = arith.addf %add3A_329, %gather3A_342 : vector<16xf32>
    %eq3A = arith.constant 0 : i32
    %eq3A_344 = vector.broadcast %eq3A : i32 to vector<16xi32>
    %eq3A_345 = arith.cmpi eq, %iota3A, %eq3A_344 : vector<16xi32>
    %eq3A_346 = arith.constant 1 : i32
    %eq3A_347 = vector.broadcast %eq3A_346 : i32 to vector<16xi32>
    %eq3A_348 = arith.cmpi eq, %iota3A, %eq3A_347 : vector<16xi32>
    %jit3A_349 = arith.constant 0.000000e+00 : f32
    %broadcast_in_dim3A_350 = vector.broadcast %jit3A_349 : f32 to vector<16xf32>
    %select_n3A_351 = arith.select %eq3A_348, %add3A_343, %broadcast_in_dim3A_350 : vector<16xi1>, vector<16xf32>
    %select_n3A_352 = arith.select %eq3A_345, %max3A_275, %select_n3A_351 : vector<16xi1>, vector<16xf32>
    %swap3A = arith.constant 0 : index
    %swap3A_353 = tpu.vector_load %arg7[%swap3A] {strides = array<i32>} : memref<16xf32, #tpu.memory_space<vmem>>, vector<16xf32>,
    %swap3A_354 = vector.shape_cast %swap3A_353 : vector<16xf32> to vector<16xf32>
    %swap3A_355 = vector.shape_cast %select_n3A_352 : vector<16xf32> to vector<16xf32>
    tpu.vector_store %arg7[%swap3A], %swap3A_355 {strides = array<i32>} : memref<16xf32, #tpu.memory_space<vmem>>, vector<16xf32>,
    %mul3A_356 = arith.constant 16 : i32
    %mul3A_357 = arith.muli %arg1, %mul3A_356 : i32
    %multiple_of3A_358 = tpu.assume_multiple %mul3A_357, 8 : i32
    "tpu.region"() ({
      %run_scoped3A = tpu.sem_alloc : memref<!tpu.dma_semaphore, #tpu.memory_space<semaphore_mem>>
      %dma_start3A_643 = tpu.memref_slice %arg10[%multiple_of3A_358] : memref<256xf32, #tpu.memory_space<vmem_shared>> -> memref<16xf32, #tpu.memory_space<vmem_shared>>
      %dma_start3A_644 = tpu.memref_slice %arg10[%multiple_of3A_358] : memref<256xf32, #tpu.memory_space<vmem_shared>> -> memref<16xf32, #tpu.memory_space<vmem_shared>>
      tpu.enqueue_dma source(%arg7 : memref<16xf32, #tpu.memory_space<vmem>>) target(%dma_start3A_644 : memref<16xf32, #tpu.memory_space<vmem_shared>>) target_semaphore(%run_scoped3A : memref<!tpu.dma_semaphore, #tpu.memory_space<semaphore_mem>>)
      %dma_wait3A_645 = tpu.memref_slice %arg10[%multiple_of3A_358] : memref<256xf32, #tpu.memory_space<vmem_shared>> -> memref<16xf32, #tpu.memory_space<vmem_shared>>
      %dma_wait3A_646 = tpu.memref_slice %arg10[%multiple_of3A_358] : memref<256xf32, #tpu.memory_space<vmem_shared>> -> memref<16xf32, #tpu.memory_space<vmem_shared>>
      tpu.wait_dma2 semaphore(%run_scoped3A : memref<!tpu.dma_semaphore, #tpu.memory_space<semaphore_mem>>) src(%arg7 : memref<16xf32, #tpu.memory_space<vmem>>) dst(%dma_wait3A_646 : memref<16xf32, #tpu.memory_space<vmem_shared>>)
      tpu.yield
    }) : () -> ()
    %barrier3A = arith.constant 0 : index
    tpu.barrier barrier_id(%barrier3A)
    "tpu.region"() ({
      %run_scoped3A = tpu.sem_alloc : memref<!tpu.dma_semaphore, #tpu.memory_space<semaphore_mem>>
      tpu.enqueue_dma source(%arg10 : memref<256xf32, #tpu.memory_space<vmem_shared>>) target(%arg8 : memref<256xf32, #tpu.memory_space<vmem>>) target_semaphore(%run_scoped3A : memref<!tpu.dma_semaphore, #tpu.memory_space<semaphore_mem>>)
      tpu.wait_dma2 semaphore(%run_scoped3A : memref<!tpu.dma_semaphore, #tpu.memory_space<semaphore_mem>>) src(%arg10 : memref<256xf32, #tpu.memory_space<vmem_shared>>) dst(%arg8 : memref<256xf32, #tpu.memory_space<vmem>>)
      tpu.yield
    }) : () -> ()
    %dma_wait3A = tpu.memref_slice %arg3[%multiple_of3A] : memref<32768xf32, #tpu.memory_space<hbm>> -> memref<2048xf32, #tpu.memory_space<hbm>>
    %dma_wait3A_359 = tpu.memref_slice %arg3[%multiple_of3A] : memref<32768xf32, #tpu.memory_space<hbm>> -> memref<2048xf32, #tpu.memory_space<hbm>>
    tpu.wait_dma2 semaphore(%arg11 : memref<!tpu.dma_semaphore, #tpu.memory_space<semaphore_mem>>) src(%dma_wait3A_359 : memref<2048xf32, #tpu.memory_space<hbm>>) dst(%arg9 : memref<2048xf32, #tpu.memory_space<vmem>>)
    %broadcast_in_dim3A_360 = arith.constant 0.000000e+00 : f32
    %broadcast_in_dim3A_361 = vector.broadcast %broadcast_in_dim3A_360 : f32 to vector<16xf32>
    %broadcast_in_dim3A_362 = arith.constant 1.000000e+00 : f32
    %broadcast_in_dim3A_363 = vector.broadcast %broadcast_in_dim3A_362 : f32 to vector<16xf32>
    %get3A_364 = arith.constant 0 : index
    %get3A_365 = tpu.vector_load %arg8[%get3A_364] {strides = array<i32>} : memref<256xf32, #tpu.memory_space<vmem>>, vector<16xf32>,
    %get3A_366 = vector.shape_cast %get3A_365 : vector<16xf32> to vector<16xf32>
    %eq3A_367 = arith.constant 0 : i32
    %eq3A_368 = vector.broadcast %eq3A_367 : i32 to vector<16xi32>
    %eq3A_369 = arith.cmpi eq, %iota3A, %eq3A_368 : vector<16xi32>
    %slice3A_370 = vector.extract_strided_slice %get3A_366 {offsets = [0], sizes = [1], strides = [1]} : vector<16xf32> to vector<1xf32>
    %squeeze3A_371 = vector.extract %slice3A_370[0] : f32 from vector<1xf32>
    %broadcast_in_dim3A_372 = vector.broadcast %squeeze3A_371 : f32 to vector<16xf32>
    %select_n3A_373 = arith.select %eq3A_369, %broadcast_in_dim3A_372, %broadcast_in_dim3A_361 : vector<16xi1>, vector<16xf32>
    %eq3A_374 = arith.constant 0 : i32
    %eq3A_375 = vector.broadcast %eq3A_374 : i32 to vector<16xi32>
    %eq3A_376 = arith.cmpi eq, %iota3A, %eq3A_375 : vector<16xi32>
    %slice3A_377 = vector.extract_strided_slice %get3A_366 {offsets = [1], sizes = [1], strides = [1]} : vector<16xf32> to vector<1xf32>
    %squeeze3A_378 = vector.extract %slice3A_377[0] : f32 from vector<1xf32>
    %broadcast_in_dim3A_379 = vector.broadcast %squeeze3A_378 : f32 to vector<16xf32>
    %select_n3A_380 = arith.select %eq3A_376, %broadcast_in_dim3A_379, %broadcast_in_dim3A_363 : vector<16xi1>, vector<16xf32>
    %get3A_381 = arith.constant 16 : index
    %get3A_382 = tpu.vector_load %arg8[%get3A_381] {strides = array<i32>} : memref<256xf32, #tpu.memory_space<vmem>>, vector<16xf32>,
    %get3A_383 = vector.shape_cast %get3A_382 : vector<16xf32> to vector<16xf32>
    %eq3A_384 = arith.constant 1 : i32
    %eq3A_385 = vector.broadcast %eq3A_384 : i32 to vector<16xi32>
    %eq3A_386 = arith.cmpi eq, %iota3A, %eq3A_385 : vector<16xi32>
    %slice3A_387 = vector.extract_strided_slice %get3A_383 {offsets = [0], sizes = [1], strides = [1]} : vector<16xf32> to vector<1xf32>
    %squeeze3A_388 = vector.extract %slice3A_387[0] : f32 from vector<1xf32>
    %broadcast_in_dim3A_389 = vector.broadcast %squeeze3A_388 : f32 to vector<16xf32>
    %select_n3A_390 = arith.select %eq3A_386, %broadcast_in_dim3A_389, %select_n3A_373 : vector<16xi1>, vector<16xf32>
    %eq3A_391 = arith.constant 1 : i32
    %eq3A_392 = vector.broadcast %eq3A_391 : i32 to vector<16xi32>
    %eq3A_393 = arith.cmpi eq, %iota3A, %eq3A_392 : vector<16xi32>
    %slice3A_394 = vector.extract_strided_slice %get3A_383 {offsets = [1], sizes = [1], strides = [1]} : vector<16xf32> to vector<1xf32>
    %squeeze3A_395 = vector.extract %slice3A_394[0] : f32 from vector<1xf32>
    %broadcast_in_dim3A_396 = vector.broadcast %squeeze3A_395 : f32 to vector<16xf32>
    %select_n3A_397 = arith.select %eq3A_393, %broadcast_in_dim3A_396, %select_n3A_380 : vector<16xi1>, vector<16xf32>
    %get3A_398 = arith.constant 32 : index
    %get3A_399 = tpu.vector_load %arg8[%get3A_398] {strides = array<i32>} : memref<256xf32, #tpu.memory_space<vmem>>, vector<16xf32>,
    %get3A_400 = vector.shape_cast %get3A_399 : vector<16xf32> to vector<16xf32>
    %eq3A_401 = arith.constant 2 : i32
    %eq3A_402 = vector.broadcast %eq3A_401 : i32 to vector<16xi32>
    %eq3A_403 = arith.cmpi eq, %iota3A, %eq3A_402 : vector<16xi32>
    %slice3A_404 = vector.extract_strided_slice %get3A_400 {offsets = [0], sizes = [1], strides = [1]} : vector<16xf32> to vector<1xf32>
    %squeeze3A_405 = vector.extract %slice3A_404[0] : f32 from vector<1xf32>
    %broadcast_in_dim3A_406 = vector.broadcast %squeeze3A_405 : f32 to vector<16xf32>
    %select_n3A_407 = arith.select %eq3A_403, %broadcast_in_dim3A_406, %select_n3A_390 : vector<16xi1>, vector<16xf32>
    %eq3A_408 = arith.constant 2 : i32
    %eq3A_409 = vector.broadcast %eq3A_408 : i32 to vector<16xi32>
    %eq3A_410 = arith.cmpi eq, %iota3A, %eq3A_409 : vector<16xi32>
    %slice3A_411 = vector.extract_strided_slice %get3A_400 {offsets = [1], sizes = [1], strides = [1]} : vector<16xf32> to vector<1xf32>
    %squeeze3A_412 = vector.extract %slice3A_411[0] : f32 from vector<1xf32>
    %broadcast_in_dim3A_413 = vector.broadcast %squeeze3A_412 : f32 to vector<16xf32>
    %select_n3A_414 = arith.select %eq3A_410, %broadcast_in_dim3A_413, %select_n3A_397 : vector<16xi1>, vector<16xf32>
    %get3A_415 = arith.constant 48 : index
    %get3A_416 = tpu.vector_load %arg8[%get3A_415] {strides = array<i32>} : memref<256xf32, #tpu.memory_space<vmem>>, vector<16xf32>,
    %get3A_417 = vector.shape_cast %get3A_416 : vector<16xf32> to vector<16xf32>
    %eq3A_418 = arith.constant 3 : i32
    %eq3A_419 = vector.broadcast %eq3A_418 : i32 to vector<16xi32>
    %eq3A_420 = arith.cmpi eq, %iota3A, %eq3A_419 : vector<16xi32>
    %slice3A_421 = vector.extract_strided_slice %get3A_417 {offsets = [0], sizes = [1], strides = [1]} : vector<16xf32> to vector<1xf32>
    %squeeze3A_422 = vector.extract %slice3A_421[0] : f32 from vector<1xf32>
    %broadcast_in_dim3A_423 = vector.broadcast %squeeze3A_422 : f32 to vector<16xf32>
    %select_n3A_424 = arith.select %eq3A_420, %broadcast_in_dim3A_423, %select_n3A_407 : vector<16xi1>, vector<16xf32>
    %eq3A_425 = arith.constant 3 : i32
    %eq3A_426 = vector.broadcast %eq3A_425 : i32 to vector<16xi32>
    %eq3A_427 = arith.cmpi eq, %iota3A, %eq3A_426 : vector<16xi32>
    %slice3A_428 = vector.extract_strided_slice %get3A_417 {offsets = [1], sizes = [1], strides = [1]} : vector<16xf32> to vector<1xf32>
    %squeeze3A_429 = vector.extract %slice3A_428[0] : f32 from vector<1xf32>
    %broadcast_in_dim3A_430 = vector.broadcast %squeeze3A_429 : f32 to vector<16xf32>
    %select_n3A_431 = arith.select %eq3A_427, %broadcast_in_dim3A_430, %select_n3A_414 : vector<16xi1>, vector<16xf32>
    %get3A_432 = arith.constant 64 : index
    %get3A_433 = tpu.vector_load %arg8[%get3A_432] {strides = array<i32>} : memref<256xf32, #tpu.memory_space<vmem>>, vector<16xf32>,
    %get3A_434 = vector.shape_cast %get3A_433 : vector<16xf32> to vector<16xf32>
    %eq3A_435 = arith.constant 4 : i32
    %eq3A_436 = vector.broadcast %eq3A_435 : i32 to vector<16xi32>
    %eq3A_437 = arith.cmpi eq, %iota3A, %eq3A_436 : vector<16xi32>
    %slice3A_438 = vector.extract_strided_slice %get3A_434 {offsets = [0], sizes = [1], strides = [1]} : vector<16xf32> to vector<1xf32>
    %squeeze3A_439 = vector.extract %slice3A_438[0] : f32 from vector<1xf32>
    %broadcast_in_dim3A_440 = vector.broadcast %squeeze3A_439 : f32 to vector<16xf32>
    %select_n3A_441 = arith.select %eq3A_437, %broadcast_in_dim3A_440, %select_n3A_424 : vector<16xi1>, vector<16xf32>
    %eq3A_442 = arith.constant 4 : i32
    %eq3A_443 = vector.broadcast %eq3A_442 : i32 to vector<16xi32>
    %eq3A_444 = arith.cmpi eq, %iota3A, %eq3A_443 : vector<16xi32>
    %slice3A_445 = vector.extract_strided_slice %get3A_434 {offsets = [1], sizes = [1], strides = [1]} : vector<16xf32> to vector<1xf32>
    %squeeze3A_446 = vector.extract %slice3A_445[0] : f32 from vector<1xf32>
    %broadcast_in_dim3A_447 = vector.broadcast %squeeze3A_446 : f32 to vector<16xf32>
    %select_n3A_448 = arith.select %eq3A_444, %broadcast_in_dim3A_447, %select_n3A_431 : vector<16xi1>, vector<16xf32>
    %get3A_449 = arith.constant 80 : index
    %get3A_450 = tpu.vector_load %arg8[%get3A_449] {strides = array<i32>} : memref<256xf32, #tpu.memory_space<vmem>>, vector<16xf32>,
    %get3A_451 = vector.shape_cast %get3A_450 : vector<16xf32> to vector<16xf32>
    %eq3A_452 = arith.constant 5 : i32
    %eq3A_453 = vector.broadcast %eq3A_452 : i32 to vector<16xi32>
    %eq3A_454 = arith.cmpi eq, %iota3A, %eq3A_453 : vector<16xi32>
    %slice3A_455 = vector.extract_strided_slice %get3A_451 {offsets = [0], sizes = [1], strides = [1]} : vector<16xf32> to vector<1xf32>
    %squeeze3A_456 = vector.extract %slice3A_455[0] : f32 from vector<1xf32>
    %broadcast_in_dim3A_457 = vector.broadcast %squeeze3A_456 : f32 to vector<16xf32>
    %select_n3A_458 = arith.select %eq3A_454, %broadcast_in_dim3A_457, %select_n3A_441 : vector<16xi1>, vector<16xf32>
    %eq3A_459 = arith.constant 5 : i32
    %eq3A_460 = vector.broadcast %eq3A_459 : i32 to vector<16xi32>
    %eq3A_461 = arith.cmpi eq, %iota3A, %eq3A_460 : vector<16xi32>
    %slice3A_462 = vector.extract_strided_slice %get3A_451 {offsets = [1], sizes = [1], strides = [1]} : vector<16xf32> to vector<1xf32>
    %squeeze3A_463 = vector.extract %slice3A_462[0] : f32 from vector<1xf32>
    %broadcast_in_dim3A_464 = vector.broadcast %squeeze3A_463 : f32 to vector<16xf32>
    %select_n3A_465 = arith.select %eq3A_461, %broadcast_in_dim3A_464, %select_n3A_448 : vector<16xi1>, vector<16xf32>
    %get3A_466 = arith.constant 96 : index
    %get3A_467 = tpu.vector_load %arg8[%get3A_466] {strides = array<i32>} : memref<256xf32, #tpu.memory_space<vmem>>, vector<16xf32>,
    %get3A_468 = vector.shape_cast %get3A_467 : vector<16xf32> to vector<16xf32>
    %eq3A_469 = arith.constant 6 : i32
    %eq3A_470 = vector.broadcast %eq3A_469 : i32 to vector<16xi32>
    %eq3A_471 = arith.cmpi eq, %iota3A, %eq3A_470 : vector<16xi32>
    %slice3A_472 = vector.extract_strided_slice %get3A_468 {offsets = [0], sizes = [1], strides = [1]} : vector<16xf32> to vector<1xf32>
    %squeeze3A_473 = vector.extract %slice3A_472[0] : f32 from vector<1xf32>
    %broadcast_in_dim3A_474 = vector.broadcast %squeeze3A_473 : f32 to vector<16xf32>
    %select_n3A_475 = arith.select %eq3A_471, %broadcast_in_dim3A_474, %select_n3A_458 : vector<16xi1>, vector<16xf32>
    %eq3A_476 = arith.constant 6 : i32
    %eq3A_477 = vector.broadcast %eq3A_476 : i32 to vector<16xi32>
    %eq3A_478 = arith.cmpi eq, %iota3A, %eq3A_477 : vector<16xi32>
    %slice3A_479 = vector.extract_strided_slice %get3A_468 {offsets = [1], sizes = [1], strides = [1]} : vector<16xf32> to vector<1xf32>
    %squeeze3A_480 = vector.extract %slice3A_479[0] : f32 from vector<1xf32>
    %broadcast_in_dim3A_481 = vector.broadcast %squeeze3A_480 : f32 to vector<16xf32>
    %select_n3A_482 = arith.select %eq3A_478, %broadcast_in_dim3A_481, %select_n3A_465 : vector<16xi1>, vector<16xf32>
    %get3A_483 = arith.constant 112 : index
    %get3A_484 = tpu.vector_load %arg8[%get3A_483] {strides = array<i32>} : memref<256xf32, #tpu.memory_space<vmem>>, vector<16xf32>,
    %get3A_485 = vector.shape_cast %get3A_484 : vector<16xf32> to vector<16xf32>
    %eq3A_486 = arith.constant 7 : i32
    %eq3A_487 = vector.broadcast %eq3A_486 : i32 to vector<16xi32>
    %eq3A_488 = arith.cmpi eq, %iota3A, %eq3A_487 : vector<16xi32>
    %slice3A_489 = vector.extract_strided_slice %get3A_485 {offsets = [0], sizes = [1], strides = [1]} : vector<16xf32> to vector<1xf32>
    %squeeze3A_490 = vector.extract %slice3A_489[0] : f32 from vector<1xf32>
    %broadcast_in_dim3A_491 = vector.broadcast %squeeze3A_490 : f32 to vector<16xf32>
    %select_n3A_492 = arith.select %eq3A_488, %broadcast_in_dim3A_491, %select_n3A_475 : vector<16xi1>, vector<16xf32>
    %eq3A_493 = arith.constant 7 : i32
    %eq3A_494 = vector.broadcast %eq3A_493 : i32 to vector<16xi32>
    %eq3A_495 = arith.cmpi eq, %iota3A, %eq3A_494 : vector<16xi32>
    %slice3A_496 = vector.extract_strided_slice %get3A_485 {offsets = [1], sizes = [1], strides = [1]} : vector<16xf32> to vector<1xf32>
    %squeeze3A_497 = vector.extract %slice3A_496[0] : f32 from vector<1xf32>
    %broadcast_in_dim3A_498 = vector.broadcast %squeeze3A_497 : f32 to vector<16xf32>
    %select_n3A_499 = arith.select %eq3A_495, %broadcast_in_dim3A_498, %select_n3A_482 : vector<16xi1>, vector<16xf32>
    %get3A_500 = arith.constant 128 : index
    %get3A_501 = tpu.vector_load %arg8[%get3A_500] {strides = array<i32>} : memref<256xf32, #tpu.memory_space<vmem>>, vector<16xf32>,
    %get3A_502 = vector.shape_cast %get3A_501 : vector<16xf32> to vector<16xf32>
    %eq3A_503 = arith.constant 8 : i32
    %eq3A_504 = vector.broadcast %eq3A_503 : i32 to vector<16xi32>
    %eq3A_505 = arith.cmpi eq, %iota3A, %eq3A_504 : vector<16xi32>
    %slice3A_506 = vector.extract_strided_slice %get3A_502 {offsets = [0], sizes = [1], strides = [1]} : vector<16xf32> to vector<1xf32>
    %squeeze3A_507 = vector.extract %slice3A_506[0] : f32 from vector<1xf32>
    %broadcast_in_dim3A_508 = vector.broadcast %squeeze3A_507 : f32 to vector<16xf32>
    %select_n3A_509 = arith.select %eq3A_505, %broadcast_in_dim3A_508, %select_n3A_492 : vector<16xi1>, vector<16xf32>
    %eq3A_510 = arith.constant 8 : i32
    %eq3A_511 = vector.broadcast %eq3A_510 : i32 to vector<16xi32>
    %eq3A_512 = arith.cmpi eq, %iota3A, %eq3A_511 : vector<16xi32>
    %slice3A_513 = vector.extract_strided_slice %get3A_502 {offsets = [1], sizes = [1], strides = [1]} : vector<16xf32> to vector<1xf32>
    %squeeze3A_514 = vector.extract %slice3A_513[0] : f32 from vector<1xf32>
    %broadcast_in_dim3A_515 = vector.broadcast %squeeze3A_514 : f32 to vector<16xf32>
    %select_n3A_516 = arith.select %eq3A_512, %broadcast_in_dim3A_515, %select_n3A_499 : vector<16xi1>, vector<16xf32>
    %get3A_517 = arith.constant 144 : index
    %get3A_518 = tpu.vector_load %arg8[%get3A_517] {strides = array<i32>} : memref<256xf32, #tpu.memory_space<vmem>>, vector<16xf32>,
    %get3A_519 = vector.shape_cast %get3A_518 : vector<16xf32> to vector<16xf32>
    %eq3A_520 = arith.constant 9 : i32
    %eq3A_521 = vector.broadcast %eq3A_520 : i32 to vector<16xi32>
    %eq3A_522 = arith.cmpi eq, %iota3A, %eq3A_521 : vector<16xi32>
    %slice3A_523 = vector.extract_strided_slice %get3A_519 {offsets = [0], sizes = [1], strides = [1]} : vector<16xf32> to vector<1xf32>
    %squeeze3A_524 = vector.extract %slice3A_523[0] : f32 from vector<1xf32>
    %broadcast_in_dim3A_525 = vector.broadcast %squeeze3A_524 : f32 to vector<16xf32>
    %select_n3A_526 = arith.select %eq3A_522, %broadcast_in_dim3A_525, %select_n3A_509 : vector<16xi1>, vector<16xf32>
    %eq3A_527 = arith.constant 9 : i32
    %eq3A_528 = vector.broadcast %eq3A_527 : i32 to vector<16xi32>
    %eq3A_529 = arith.cmpi eq, %iota3A, %eq3A_528 : vector<16xi32>
    %slice3A_530 = vector.extract_strided_slice %get3A_519 {offsets = [1], sizes = [1], strides = [1]} : vector<16xf32> to vector<1xf32>
    %squeeze3A_531 = vector.extract %slice3A_530[0] : f32 from vector<1xf32>
    %broadcast_in_dim3A_532 = vector.broadcast %squeeze3A_531 : f32 to vector<16xf32>
    %select_n3A_533 = arith.select %eq3A_529, %broadcast_in_dim3A_532, %select_n3A_516 : vector<16xi1>, vector<16xf32>
    %get3A_534 = arith.constant 160 : index
    %get3A_535 = tpu.vector_load %arg8[%get3A_534] {strides = array<i32>} : memref<256xf32, #tpu.memory_space<vmem>>, vector<16xf32>,
    %get3A_536 = vector.shape_cast %get3A_535 : vector<16xf32> to vector<16xf32>
    %eq3A_537 = arith.constant 10 : i32
    %eq3A_538 = vector.broadcast %eq3A_537 : i32 to vector<16xi32>
    %eq3A_539 = arith.cmpi eq, %iota3A, %eq3A_538 : vector<16xi32>
    %slice3A_540 = vector.extract_strided_slice %get3A_536 {offsets = [0], sizes = [1], strides = [1]} : vector<16xf32> to vector<1xf32>
    %squeeze3A_541 = vector.extract %slice3A_540[0] : f32 from vector<1xf32>
    %broadcast_in_dim3A_542 = vector.broadcast %squeeze3A_541 : f32 to vector<16xf32>
    %select_n3A_543 = arith.select %eq3A_539, %broadcast_in_dim3A_542, %select_n3A_526 : vector<16xi1>, vector<16xf32>
    %eq3A_544 = arith.constant 10 : i32
    %eq3A_545 = vector.broadcast %eq3A_544 : i32 to vector<16xi32>
    %eq3A_546 = arith.cmpi eq, %iota3A, %eq3A_545 : vector<16xi32>
    %slice3A_547 = vector.extract_strided_slice %get3A_536 {offsets = [1], sizes = [1], strides = [1]} : vector<16xf32> to vector<1xf32>
    %squeeze3A_548 = vector.extract %slice3A_547[0] : f32 from vector<1xf32>
    %broadcast_in_dim3A_549 = vector.broadcast %squeeze3A_548 : f32 to vector<16xf32>
    %select_n3A_550 = arith.select %eq3A_546, %broadcast_in_dim3A_549, %select_n3A_533 : vector<16xi1>, vector<16xf32>
    %get3A_551 = arith.constant 176 : index
    %get3A_552 = tpu.vector_load %arg8[%get3A_551] {strides = array<i32>} : memref<256xf32, #tpu.memory_space<vmem>>, vector<16xf32>,
    %get3A_553 = vector.shape_cast %get3A_552 : vector<16xf32> to vector<16xf32>
    %eq3A_554 = arith.constant 11 : i32
    %eq3A_555 = vector.broadcast %eq3A_554 : i32 to vector<16xi32>
    %eq3A_556 = arith.cmpi eq, %iota3A, %eq3A_555 : vector<16xi32>
    %slice3A_557 = vector.extract_strided_slice %get3A_553 {offsets = [0], sizes = [1], strides = [1]} : vector<16xf32> to vector<1xf32>
    %squeeze3A_558 = vector.extract %slice3A_557[0] : f32 from vector<1xf32>
    %broadcast_in_dim3A_559 = vector.broadcast %squeeze3A_558 : f32 to vector<16xf32>
    %select_n3A_560 = arith.select %eq3A_556, %broadcast_in_dim3A_559, %select_n3A_543 : vector<16xi1>, vector<16xf32>
    %eq3A_561 = arith.constant 11 : i32
    %eq3A_562 = vector.broadcast %eq3A_561 : i32 to vector<16xi32>
    %eq3A_563 = arith.cmpi eq, %iota3A, %eq3A_562 : vector<16xi32>
    %slice3A_564 = vector.extract_strided_slice %get3A_553 {offsets = [1], sizes = [1], strides = [1]} : vector<16xf32> to vector<1xf32>
    %squeeze3A_565 = vector.extract %slice3A_564[0] : f32 from vector<1xf32>
    %broadcast_in_dim3A_566 = vector.broadcast %squeeze3A_565 : f32 to vector<16xf32>
    %select_n3A_567 = arith.select %eq3A_563, %broadcast_in_dim3A_566, %select_n3A_550 : vector<16xi1>, vector<16xf32>
    %get3A_568 = arith.constant 192 : index
    %get3A_569 = tpu.vector_load %arg8[%get3A_568] {strides = array<i32>} : memref<256xf32, #tpu.memory_space<vmem>>, vector<16xf32>,
    %get3A_570 = vector.shape_cast %get3A_569 : vector<16xf32> to vector<16xf32>
    %eq3A_571 = arith.constant 12 : i32
    %eq3A_572 = vector.broadcast %eq3A_571 : i32 to vector<16xi32>
    %eq3A_573 = arith.cmpi eq, %iota3A, %eq3A_572 : vector<16xi32>
    %slice3A_574 = vector.extract_strided_slice %get3A_570 {offsets = [0], sizes = [1], strides = [1]} : vector<16xf32> to vector<1xf32>
    %squeeze3A_575 = vector.extract %slice3A_574[0] : f32 from vector<1xf32>
    %broadcast_in_dim3A_576 = vector.broadcast %squeeze3A_575 : f32 to vector<16xf32>
    %select_n3A_577 = arith.select %eq3A_573, %broadcast_in_dim3A_576, %select_n3A_560 : vector<16xi1>, vector<16xf32>
    %eq3A_578 = arith.constant 12 : i32
    %eq3A_579 = vector.broadcast %eq3A_578 : i32 to vector<16xi32>
    %eq3A_580 = arith.cmpi eq, %iota3A, %eq3A_579 : vector<16xi32>
    %slice3A_581 = vector.extract_strided_slice %get3A_570 {offsets = [1], sizes = [1], strides = [1]} : vector<16xf32> to vector<1xf32>
    %squeeze3A_582 = vector.extract %slice3A_581[0] : f32 from vector<1xf32>
    %broadcast_in_dim3A_583 = vector.broadcast %squeeze3A_582 : f32 to vector<16xf32>
    %select_n3A_584 = arith.select %eq3A_580, %broadcast_in_dim3A_583, %select_n3A_567 : vector<16xi1>, vector<16xf32>
    %get3A_585 = arith.constant 208 : index
    %get3A_586 = tpu.vector_load %arg8[%get3A_585] {strides = array<i32>} : memref<256xf32, #tpu.memory_space<vmem>>, vector<16xf32>,
    %get3A_587 = vector.shape_cast %get3A_586 : vector<16xf32> to vector<16xf32>
    %eq3A_588 = arith.constant 13 : i32
    %eq3A_589 = vector.broadcast %eq3A_588 : i32 to vector<16xi32>
    %eq3A_590 = arith.cmpi eq, %iota3A, %eq3A_589 : vector<16xi32>
    %slice3A_591 = vector.extract_strided_slice %get3A_587 {offsets = [0], sizes = [1], strides = [1]} : vector<16xf32> to vector<1xf32>
    %squeeze3A_592 = vector.extract %slice3A_591[0] : f32 from vector<1xf32>
    %broadcast_in_dim3A_593 = vector.broadcast %squeeze3A_592 : f32 to vector<16xf32>
    %select_n3A_594 = arith.select %eq3A_590, %broadcast_in_dim3A_593, %select_n3A_577 : vector<16xi1>, vector<16xf32>
    %eq3A_595 = arith.constant 13 : i32
    %eq3A_596 = vector.broadcast %eq3A_595 : i32 to vector<16xi32>
    %eq3A_597 = arith.cmpi eq, %iota3A, %eq3A_596 : vector<16xi32>
    %slice3A_598 = vector.extract_strided_slice %get3A_587 {offsets = [1], sizes = [1], strides = [1]} : vector<16xf32> to vector<1xf32>
    %squeeze3A_599 = vector.extract %slice3A_598[0] : f32 from vector<1xf32>
    %broadcast_in_dim3A_600 = vector.broadcast %squeeze3A_599 : f32 to vector<16xf32>
    %select_n3A_601 = arith.select %eq3A_597, %broadcast_in_dim3A_600, %select_n3A_584 : vector<16xi1>, vector<16xf32>
    %get3A_602 = arith.constant 224 : index
    %get3A_603 = tpu.vector_load %arg8[%get3A_602] {strides = array<i32>} : memref<256xf32, #tpu.memory_space<vmem>>, vector<16xf32>,
    %get3A_604 = vector.shape_cast %get3A_603 : vector<16xf32> to vector<16xf32>
    %eq3A_605 = arith.constant 14 : i32
    %eq3A_606 = vector.broadcast %eq3A_605 : i32 to vector<16xi32>
    %eq3A_607 = arith.cmpi eq, %iota3A, %eq3A_606 : vector<16xi32>
    %slice3A_608 = vector.extract_strided_slice %get3A_604 {offsets = [0], sizes = [1], strides = [1]} : vector<16xf32> to vector<1xf32>
    %squeeze3A_609 = vector.extract %slice3A_608[0] : f32 from vector<1xf32>
    %broadcast_in_dim3A_610 = vector.broadcast %squeeze3A_609 : f32 to vector<16xf32>
    %select_n3A_611 = arith.select %eq3A_607, %broadcast_in_dim3A_610, %select_n3A_594 : vector<16xi1>, vector<16xf32>
    %eq3A_612 = arith.constant 14 : i32
    %eq3A_613 = vector.broadcast %eq3A_612 : i32 to vector<16xi32>
    %eq3A_614 = arith.cmpi eq, %iota3A, %eq3A_613 : vector<16xi32>
    %slice3A_615 = vector.extract_strided_slice %get3A_604 {offsets = [1], sizes = [1], strides = [1]} : vector<16xf32> to vector<1xf32>
    %squeeze3A_616 = vector.extract %slice3A_615[0] : f32 from vector<1xf32>
    %broadcast_in_dim3A_617 = vector.broadcast %squeeze3A_616 : f32 to vector<16xf32>
    %select_n3A_618 = arith.select %eq3A_614, %broadcast_in_dim3A_617, %select_n3A_601 : vector<16xi1>, vector<16xf32>
    %get3A_619 = arith.constant 240 : index
    %get3A_620 = tpu.vector_load %arg8[%get3A_619] {strides = array<i32>} : memref<256xf32, #tpu.memory_space<vmem>>, vector<16xf32>,
    %get3A_621 = vector.shape_cast %get3A_620 : vector<16xf32> to vector<16xf32>
    %eq3A_622 = arith.constant 15 : i32
    %eq3A_623 = vector.broadcast %eq3A_622 : i32 to vector<16xi32>
    %eq3A_624 = arith.cmpi eq, %iota3A, %eq3A_623 : vector<16xi32>
    %slice3A_625 = vector.extract_strided_slice %get3A_621 {offsets = [0], sizes = [1], strides = [1]} : vector<16xf32> to vector<1xf32>
    %squeeze3A_626 = vector.extract %slice3A_625[0] : f32 from vector<1xf32>
    %broadcast_in_dim3A_627 = vector.broadcast %squeeze3A_626 : f32 to vector<16xf32>
    %select_n3A_628 = arith.select %eq3A_624, %broadcast_in_dim3A_627, %select_n3A_611 : vector<16xi1>, vector<16xf32>
    %eq3A_629 = arith.constant 15 : i32
    %eq3A_630 = vector.broadcast %eq3A_629 : i32 to vector<16xi32>
    %eq3A_631 = arith.cmpi eq, %iota3A, %eq3A_630 : vector<16xi32>
    %slice3A_632 = vector.extract_strided_slice %get3A_621 {offsets = [1], sizes = [1], strides = [1]} : vector<16xf32> to vector<1xf32>
    %squeeze3A_633 = vector.extract %slice3A_632[0] : f32 from vector<1xf32>
    %broadcast_in_dim3A_634 = vector.broadcast %squeeze3A_633 : f32 to vector<16xf32>
    %select_n3A_635 = arith.select %eq3A_631, %broadcast_in_dim3A_634, %select_n3A_618 : vector<16xi1>, vector<16xf32>
    %div3A = arith.constant 1.000000e+00 : f32
    %div3A_636 = vector.broadcast %div3A : f32 to vector<16xf32>
    %div3A_637 = arith.divf %div3A_636, %select_n3A_635 : vector<16xf32>
    %scan3A = arith.constant 0 : i32
    %scan3A_638 = arith.constant 0 : i32
    %scan3A_639 = arith.constant 128 : i32
    %scan3A_640 = arith.addi %scan3A_638, %scan3A_639 : i32
    %scan3A_641 = arith.constant 1 : i32
    scf.for %scan3A_643 = %scan3A_638 to %scan3A_640 step %scan3A_641  : i32 {
      %mul3A_644 = arith.constant 16 : i32
      %mul3A_645 = arith.muli %scan3A_643, %mul3A_644 : i32
      %get3A_646 = arith.index_cast %mul3A_645 : i32 to index
      %get3A_647 = tpu.vector_load %arg9[%get3A_646] {strides = array<i32>} : memref<2048xf32, #tpu.memory_space<vmem>>, vector<16xf32>,
      %get3A_648 = vector.shape_cast %get3A_647 : vector<16xf32> to vector<16xf32>
      %mul3A_649 = arith.constant 16 : i32
      %mul3A_650 = arith.muli %scan3A_643, %mul3A_649 : i32
      %add3A_651 = arith.addi %multiple_of3A, %mul3A_650 : i32
      %add3A_652 = vector.broadcast %add3A_651 : i32 to vector<16xi32>
      %add3A_653 = arith.addi %add3A_652, %iota3A : vector<16xi32>
      %broadcast_in_dim3A_654 = arith.constant 0 : i32
      %broadcast_in_dim3A_655 = vector.broadcast %broadcast_in_dim3A_654 : i32 to vector<16xi32>
      %ge3A_656 = vector.broadcast %add3A_7 : i32 to vector<16xi32>
      %ge3A_657 = arith.cmpi sge, %add3A_653, %ge3A_656 : vector<16xi32>
      %jit3A_658 = arith.constant 1 : i32
      %jit3A_659 = arith.constant 0 : i32
      %broadcast_in_dim3A_660 = vector.broadcast %jit3A_658 : i32 to vector<16xi32>
      %broadcast_in_dim3A_661 = vector.broadcast %jit3A_659 : i32 to vector<16xi32>
      %select_n3A_662 = arith.select %ge3A_657, %broadcast_in_dim3A_660, %broadcast_in_dim3A_661 : vector<16xi1>, vector<16xi32>
      %add3A_663 = arith.addi %broadcast_in_dim3A_655, %select_n3A_662 : vector<16xi32>
      %ge3A_664 = vector.broadcast %add3A_10 : i32 to vector<16xi32>
      %ge3A_665 = arith.cmpi sge, %add3A_653, %ge3A_664 : vector<16xi32>
      %jit3A_666 = arith.constant 1 : i32
      %jit3A_667 = arith.constant 0 : i32
      %broadcast_in_dim3A_668 = vector.broadcast %jit3A_666 : i32 to vector<16xi32>
      %broadcast_in_dim3A_669 = vector.broadcast %jit3A_667 : i32 to vector<16xi32>
      %select_n3A_670 = arith.select %ge3A_665, %broadcast_in_dim3A_668, %broadcast_in_dim3A_669 : vector<16xi1>, vector<16xi32>
      %add3A_671 = arith.addi %add3A_663, %select_n3A_670 : vector<16xi32>
      %ge3A_672 = vector.broadcast %add3A_13 : i32 to vector<16xi32>
      %ge3A_673 = arith.cmpi sge, %add3A_653, %ge3A_672 : vector<16xi32>
      %jit3A_674 = arith.constant 1 : i32
      %jit3A_675 = arith.constant 0 : i32
      %broadcast_in_dim3A_676 = vector.broadcast %jit3A_674 : i32 to vector<16xi32>
      %broadcast_in_dim3A_677 = vector.broadcast %jit3A_675 : i32 to vector<16xi32>
      %select_n3A_678 = arith.select %ge3A_673, %broadcast_in_dim3A_676, %broadcast_in_dim3A_677 : vector<16xi1>, vector<16xi32>
      %add3A_679 = arith.addi %add3A_671, %select_n3A_678 : vector<16xi32>
      %ge3A_680 = vector.broadcast %add3A_16 : i32 to vector<16xi32>
      %ge3A_681 = arith.cmpi sge, %add3A_653, %ge3A_680 : vector<16xi32>
      %jit3A_682 = arith.constant 1 : i32
      %jit3A_683 = arith.constant 0 : i32
      %broadcast_in_dim3A_684 = vector.broadcast %jit3A_682 : i32 to vector<16xi32>
      %broadcast_in_dim3A_685 = vector.broadcast %jit3A_683 : i32 to vector<16xi32>
      %select_n3A_686 = arith.select %ge3A_681, %broadcast_in_dim3A_684, %broadcast_in_dim3A_685 : vector<16xi1>, vector<16xi32>
      %add3A_687 = arith.addi %add3A_679, %select_n3A_686 : vector<16xi32>
      %ge3A_688 = vector.broadcast %add3A_19 : i32 to vector<16xi32>
      %ge3A_689 = arith.cmpi sge, %add3A_653, %ge3A_688 : vector<16xi32>
      %jit3A_690 = arith.constant 1 : i32
      %jit3A_691 = arith.constant 0 : i32
      %broadcast_in_dim3A_692 = vector.broadcast %jit3A_690 : i32 to vector<16xi32>
      %broadcast_in_dim3A_693 = vector.broadcast %jit3A_691 : i32 to vector<16xi32>
      %select_n3A_694 = arith.select %ge3A_689, %broadcast_in_dim3A_692, %broadcast_in_dim3A_693 : vector<16xi1>, vector<16xi32>
      %add3A_695 = arith.addi %add3A_687, %select_n3A_694 : vector<16xi32>
      %ge3A_696 = vector.broadcast %add3A_22 : i32 to vector<16xi32>
      %ge3A_697 = arith.cmpi sge, %add3A_653, %ge3A_696 : vector<16xi32>
      %jit3A_698 = arith.constant 1 : i32
      %jit3A_699 = arith.constant 0 : i32
      %broadcast_in_dim3A_700 = vector.broadcast %jit3A_698 : i32 to vector<16xi32>
      %broadcast_in_dim3A_701 = vector.broadcast %jit3A_699 : i32 to vector<16xi32>
      %select_n3A_702 = arith.select %ge3A_697, %broadcast_in_dim3A_700, %broadcast_in_dim3A_701 : vector<16xi1>, vector<16xi32>
      %add3A_703 = arith.addi %add3A_695, %select_n3A_702 : vector<16xi32>
      %ge3A_704 = vector.broadcast %add3A_25 : i32 to vector<16xi32>
      %ge3A_705 = arith.cmpi sge, %add3A_653, %ge3A_704 : vector<16xi32>
      %jit3A_706 = arith.constant 1 : i32
      %jit3A_707 = arith.constant 0 : i32
      %broadcast_in_dim3A_708 = vector.broadcast %jit3A_706 : i32 to vector<16xi32>
      %broadcast_in_dim3A_709 = vector.broadcast %jit3A_707 : i32 to vector<16xi32>
      %select_n3A_710 = arith.select %ge3A_705, %broadcast_in_dim3A_708, %broadcast_in_dim3A_709 : vector<16xi1>, vector<16xi32>
      %add3A_711 = arith.addi %add3A_703, %select_n3A_710 : vector<16xi32>
      %ge3A_712 = vector.broadcast %add3A_28 : i32 to vector<16xi32>
      %ge3A_713 = arith.cmpi sge, %add3A_653, %ge3A_712 : vector<16xi32>
      %jit3A_714 = arith.constant 1 : i32
      %jit3A_715 = arith.constant 0 : i32
      %broadcast_in_dim3A_716 = vector.broadcast %jit3A_714 : i32 to vector<16xi32>
      %broadcast_in_dim3A_717 = vector.broadcast %jit3A_715 : i32 to vector<16xi32>
      %select_n3A_718 = arith.select %ge3A_713, %broadcast_in_dim3A_716, %broadcast_in_dim3A_717 : vector<16xi1>, vector<16xi32>
      %add3A_719 = arith.addi %add3A_711, %select_n3A_718 : vector<16xi32>
      %ge3A_720 = vector.broadcast %add3A_31 : i32 to vector<16xi32>
      %ge3A_721 = arith.cmpi sge, %add3A_653, %ge3A_720 : vector<16xi32>
      %jit3A_722 = arith.constant 1 : i32
      %jit3A_723 = arith.constant 0 : i32
      %broadcast_in_dim3A_724 = vector.broadcast %jit3A_722 : i32 to vector<16xi32>
      %broadcast_in_dim3A_725 = vector.broadcast %jit3A_723 : i32 to vector<16xi32>
      %select_n3A_726 = arith.select %ge3A_721, %broadcast_in_dim3A_724, %broadcast_in_dim3A_725 : vector<16xi1>, vector<16xi32>
      %add3A_727 = arith.addi %add3A_719, %select_n3A_726 : vector<16xi32>
      %ge3A_728 = vector.broadcast %add3A_34 : i32 to vector<16xi32>
      %ge3A_729 = arith.cmpi sge, %add3A_653, %ge3A_728 : vector<16xi32>
      %jit3A_730 = arith.constant 1 : i32
      %jit3A_731 = arith.constant 0 : i32
      %broadcast_in_dim3A_732 = vector.broadcast %jit3A_730 : i32 to vector<16xi32>
      %broadcast_in_dim3A_733 = vector.broadcast %jit3A_731 : i32 to vector<16xi32>
      %select_n3A_734 = arith.select %ge3A_729, %broadcast_in_dim3A_732, %broadcast_in_dim3A_733 : vector<16xi1>, vector<16xi32>
      %add3A_735 = arith.addi %add3A_727, %select_n3A_734 : vector<16xi32>
      %ge3A_736 = vector.broadcast %add3A_37 : i32 to vector<16xi32>
      %ge3A_737 = arith.cmpi sge, %add3A_653, %ge3A_736 : vector<16xi32>
      %jit3A_738 = arith.constant 1 : i32
      %jit3A_739 = arith.constant 0 : i32
      %broadcast_in_dim3A_740 = vector.broadcast %jit3A_738 : i32 to vector<16xi32>
      %broadcast_in_dim3A_741 = vector.broadcast %jit3A_739 : i32 to vector<16xi32>
      %select_n3A_742 = arith.select %ge3A_737, %broadcast_in_dim3A_740, %broadcast_in_dim3A_741 : vector<16xi1>, vector<16xi32>
      %add3A_743 = arith.addi %add3A_735, %select_n3A_742 : vector<16xi32>
      %ge3A_744 = vector.broadcast %add3A_40 : i32 to vector<16xi32>
      %ge3A_745 = arith.cmpi sge, %add3A_653, %ge3A_744 : vector<16xi32>
      %jit3A_746 = arith.constant 1 : i32
      %jit3A_747 = arith.constant 0 : i32
      %broadcast_in_dim3A_748 = vector.broadcast %jit3A_746 : i32 to vector<16xi32>
      %broadcast_in_dim3A_749 = vector.broadcast %jit3A_747 : i32 to vector<16xi32>
      %select_n3A_750 = arith.select %ge3A_745, %broadcast_in_dim3A_748, %broadcast_in_dim3A_749 : vector<16xi1>, vector<16xi32>
      %add3A_751 = arith.addi %add3A_743, %select_n3A_750 : vector<16xi32>
      %ge3A_752 = vector.broadcast %add3A_43 : i32 to vector<16xi32>
      %ge3A_753 = arith.cmpi sge, %add3A_653, %ge3A_752 : vector<16xi32>
      %jit3A_754 = arith.constant 1 : i32
      %jit3A_755 = arith.constant 0 : i32
      %broadcast_in_dim3A_756 = vector.broadcast %jit3A_754 : i32 to vector<16xi32>
      %broadcast_in_dim3A_757 = vector.broadcast %jit3A_755 : i32 to vector<16xi32>
      %select_n3A_758 = arith.select %ge3A_753, %broadcast_in_dim3A_756, %broadcast_in_dim3A_757 : vector<16xi1>, vector<16xi32>
      %add3A_759 = arith.addi %add3A_751, %select_n3A_758 : vector<16xi32>
      %ge3A_760 = vector.broadcast %add3A_46 : i32 to vector<16xi32>
      %ge3A_761 = arith.cmpi sge, %add3A_653, %ge3A_760 : vector<16xi32>
      %jit3A_762 = arith.constant 1 : i32
      %jit3A_763 = arith.constant 0 : i32
      %broadcast_in_dim3A_764 = vector.broadcast %jit3A_762 : i32 to vector<16xi32>
      %broadcast_in_dim3A_765 = vector.broadcast %jit3A_763 : i32 to vector<16xi32>
      %select_n3A_766 = arith.select %ge3A_761, %broadcast_in_dim3A_764, %broadcast_in_dim3A_765 : vector<16xi1>, vector<16xi32>
      %add3A_767 = arith.addi %add3A_759, %select_n3A_766 : vector<16xi32>
      %ge3A_768 = vector.broadcast %add3A_49 : i32 to vector<16xi32>
      %ge3A_769 = arith.cmpi sge, %add3A_653, %ge3A_768 : vector<16xi32>
      %jit3A_770 = arith.constant 1 : i32
      %jit3A_771 = arith.constant 0 : i32
      %broadcast_in_dim3A_772 = vector.broadcast %jit3A_770 : i32 to vector<16xi32>
      %broadcast_in_dim3A_773 = vector.broadcast %jit3A_771 : i32 to vector<16xi32>
      %select_n3A_774 = arith.select %ge3A_769, %broadcast_in_dim3A_772, %broadcast_in_dim3A_773 : vector<16xi1>, vector<16xi32>
      %add3A_775 = arith.addi %add3A_767, %select_n3A_774 : vector<16xi32>
      %lt3A_776 = arith.constant 0 : i32
      %lt3A_777 = vector.broadcast %lt3A_776 : i32 to vector<16xi32>
      %lt3A_778 = arith.cmpi slt, %add3A_775, %lt3A_777 : vector<16xi32>
      %add3A_779 = arith.constant 16 : i32
      %add3A_780 = vector.broadcast %add3A_779 : i32 to vector<16xi32>
      %add3A_781 = arith.addi %add3A_775, %add3A_780 : vector<16xi32>
      %select_n3A_782 = arith.select %lt3A_778, %add3A_781, %add3A_775 : vector<16xi1>, vector<16xi32>
      %broadcast_in_dim3A_783 = vector.shape_cast %select_n3A_782 : vector<16xi32> to vector<16x1xi32>
      %gather3A_784 = vector.shape_cast %broadcast_in_dim3A_783 : vector<16x1xi32> to vector<16xi32>
      %gather3A_785 = tpu.dynamic_gather %select_n3A_628[%gather3A_784] in [0] : vector<16xf32>, vector<16xi32> -> vector<16xf32>
      %lt3A_786 = arith.constant 0 : i32
      %lt3A_787 = vector.broadcast %lt3A_786 : i32 to vector<16xi32>
      %lt3A_788 = arith.cmpi slt, %add3A_775, %lt3A_787 : vector<16xi32>
      %add3A_789 = arith.constant 16 : i32
      %add3A_790 = vector.broadcast %add3A_789 : i32 to vector<16xi32>
      %add3A_791 = arith.addi %add3A_775, %add3A_790 : vector<16xi32>
      %select_n3A_792 = arith.select %lt3A_788, %add3A_791, %add3A_775 : vector<16xi1>, vector<16xi32>
      %broadcast_in_dim3A_793 = vector.shape_cast %select_n3A_792 : vector<16xi32> to vector<16x1xi32>
      %gather3A_794 = vector.shape_cast %broadcast_in_dim3A_793 : vector<16x1xi32> to vector<16xi32>
      %gather3A_795 = tpu.dynamic_gather %div3A_637[%gather3A_794] in [0] : vector<16xf32>, vector<16xi32> -> vector<16xf32>
      %lt3A_796 = vector.broadcast %add3A_52 : i32 to vector<16xi32>
      %lt3A_797 = arith.cmpi slt, %add3A_653, %lt3A_796 : vector<16xi32>
      %sub3A_798 = arith.subf %get3A_648, %gather3A_785 : vector<16xf32>
      %exp3A = math.exp %sub3A_798 : vector<16xf32>
      %mul3A_799 = arith.mulf %exp3A, %gather3A_795 : vector<16xf32>
      %select_n3A_800 = arith.select %lt3A_797, %mul3A_799, %get3A_648 : vector<16xi1>, vector<16xf32>
      %mul3A_801 = arith.constant 16 : i32
      %mul3A_802 = arith.muli %scan3A_643, %mul3A_801 : i32
      %swap3A_803 = arith.index_cast %mul3A_802 : i32 to index
      %swap3A_804 = tpu.vector_load %arg9[%swap3A_803] {strides = array<i32>} : memref<2048xf32, #tpu.memory_space<vmem>>, vector<16xf32>,
      %swap3A_805 = vector.shape_cast %swap3A_804 : vector<16xf32> to vector<16xf32>
      %swap3A_806 = vector.shape_cast %select_n3A_800 : vector<16xf32> to vector<16xf32>
      tpu.vector_store %arg9[%swap3A_803], %swap3A_806 {strides = array<i32>} : memref<2048xf32, #tpu.memory_space<vmem>>, vector<16xf32>,
    }
    %scan3A_642 = arith.constant 128 : i32
    "tpu.region"() ({
      %run_scoped3A = tpu.sem_alloc : memref<!tpu.dma_semaphore, #tpu.memory_space<semaphore_mem>>
      %dma_start3A_643 = tpu.memref_slice %arg4[%multiple_of3A] : memref<32768xf32, #tpu.memory_space<hbm>> -> memref<2048xf32, #tpu.memory_space<hbm>>
      %dma_start3A_644 = tpu.memref_slice %arg4[%multiple_of3A] : memref<32768xf32, #tpu.memory_space<hbm>> -> memref<2048xf32, #tpu.memory_space<hbm>>
      tpu.enqueue_dma source(%arg9 : memref<2048xf32, #tpu.memory_space<vmem>>) target(%dma_start3A_644 : memref<2048xf32, #tpu.memory_space<hbm>>) target_semaphore(%run_scoped3A : memref<!tpu.dma_semaphore, #tpu.memory_space<semaphore_mem>>)
      %dma_wait3A_645 = tpu.memref_slice %arg4[%multiple_of3A] : memref<32768xf32, #tpu.memory_space<hbm>> -> memref<2048xf32, #tpu.memory_space<hbm>>
      %dma_wait3A_646 = tpu.memref_slice %arg4[%multiple_of3A] : memref<32768xf32, #tpu.memory_space<hbm>> -> memref<2048xf32, #tpu.memory_space<hbm>>
      tpu.wait_dma2 semaphore(%run_scoped3A : memref<!tpu.dma_semaphore, #tpu.memory_space<semaphore_mem>>) src(%arg9 : memref<2048xf32, #tpu.memory_space<vmem>>) dst(%dma_wait3A_646 : memref<2048xf32, #tpu.memory_space<hbm>>)
      tpu.yield
    }) : () -> ()
    return
  }
}

module attributes {stable_mosaic.version = 14 : i64} {
  func.func @_gemv_body(%arg0: i32, %arg1: memref<1xf32, #tpu.memory_space<smem>>, %arg2: memref<1024x2048xf32, #tpu.memory_space<vmem>>, %arg3: memref<1x2048xf32, #tpu.memory_space<vmem>>, %arg4: memref<1024x1xf32, #tpu.memory_space<vmem>>) attributes {dimension_semantics = [#tpu.dimension_semantics<arbitrary>], iteration_bounds = array<i64: 32>, scalar_prefetch = 0 : i64, scratch_operands = 0 : i64, tpu.core_type = #tpu.core_type<tc>, window_params = [{transform_indices = @transform_0, window_bounds = array<i64: 1>}, {transform_indices = @transform_1, window_bounds = array<i64: 1024, 2048>}, {pipeline_mode = #tpu.pipeline_mode<synchronous>, transform_indices = @transform_2, window_bounds = array<i64: 1, 2048>}, {transform_indices = @transform_3, window_bounds = array<i64: 1024, 1>}]} {
    %get3A = arith.constant 0 : index
    %get3A_0 = arith.constant 0 : index
    %get3A_1 = vector.load %arg2[%get3A, %get3A_0] : memref<1024x2048xf32, #tpu.memory_space<vmem>>, vector<1024x2048xf32>
    %get3A_2 = arith.constant 0 : index
    %get3A_3 = arith.constant 0 : index
    %get3A_4 = vector.load %arg3[%get3A_2, %get3A_3] : memref<1x2048xf32, #tpu.memory_space<vmem>>, vector<1x2048xf32>
    %mul3A = vector.broadcast %get3A_4 : vector<1x2048xf32> to vector<1024x2048xf32>
    %mul3A_5 = arith.mulf %get3A_1, %mul3A : vector<1024x2048xf32>
    %reduce_sum3A = arith.constant dense<0.000000e+00> : vector<1024xf32>
    %reduce_sum3A_6 = vector.multi_reduction <add>, %mul3A_5, %reduce_sum3A [1] : vector<1024x2048xf32> to vector<1024xf32>
    %broadcast_in_dim3A = vector.shape_cast %reduce_sum3A_6 : vector<1024xf32> to vector<1024x1xf32>
    %get3A_7 = arith.constant 0 : index
    %get3A_8 = memref.load %arg1[%get3A_7] : memref<1xf32, #tpu.memory_space<smem>>
    %add3A = vector.broadcast %get3A_8 : f32 to vector<1024x1xf32>
    %add3A_9 = arith.addf %broadcast_in_dim3A, %add3A : vector<1024x1xf32>
    %swap3A = arith.constant 0 : index
    %swap3A_10 = arith.constant 0 : index
    %swap3A_11 = vector.load %arg4[%swap3A, %swap3A_10] : memref<1024x1xf32, #tpu.memory_space<vmem>>, vector<1024x1xf32>
    tpu.vector_store %arg4[%swap3A, %swap3A_10], %add3A_9 {strides = array<i32>} : memref<1024x1xf32, #tpu.memory_space<vmem>>, vector<1024x1xf32>,
    return
  }
  func.func @transform_0(%arg0: i32) -> i32 {
    %c0_i32 = arith.constant 0 : i32
    %c0_i32_0 = arith.constant 0 : i32
    return %c0_i32 : i32
  }
  func.func @transform_1(%arg0: i32) -> (i32, i32) {
    %c0_i32 = arith.constant 0 : i32
    %c0_i32_0 = arith.constant 0 : i32
    return %arg0, %c0_i32 : i32, i32
  }
  func.func @transform_2(%arg0: i32) -> (i32, i32) {
    %c0_i32 = arith.constant 0 : i32
    %c0_i32_0 = arith.constant 0 : i32
    %c0_i32_1 = arith.constant 0 : i32
    return %c0_i32, %c0_i32_0 : i32, i32
  }
  func.func @transform_3(%arg0: i32) -> (i32, i32) {
    %c0_i32 = arith.constant 0 : i32
    %c0_i32_0 = arith.constant 0 : i32
    return %arg0, %c0_i32 : i32, i32
  }
}

</mosaic_0001>

<sc_bundles>
// kernel: kernel.4.cloned.1.call-start
scs
__scs_entry_jumppad:
0x0: {  	(pc) =	sbr.rel $0x88, $3  }
0x1: {  	(tag) =	ssettag $0x0;
	lr =	simm.s32 $0x1  }
0x2: {  	[smem:$0x3F9D] =	sst lr;
	_ =	strace $0xD0000000  }
0x3: {  	_ = 	snop  }
0x4: {  	_ = 	snop  }
0x5: {  	_ = 	snop  }
0x6: {  	_ = 	snop  }
0x7: {  	_ = 	snop  }
__scs_overlays_trampoline_lowered:
0x8: {  	[smem:$0x3FAC] =	sst s0  }
0x9: {  	[smem:$0x3FAD] =	sst s1  }
0xa: {  	[smem:$0x3FAE] =	sst s2  }
0xb: {  	[smem:$0x3FAF] =	sst s3  }
0xc: {  	[smem:$0x3FB0] =	sst s4  }
0xd: {  	[smem:$0x3FB1] =	sst s5  }
0xe: {  	[smem:$0x3FB2] =	sst s6  }
0xf: {  	[smem:$0x3FB3] =	sst s7  }
0x10: {  	[smem:$0x3FB4] =	sst s8  }
0x11: {  	[smem:$0x3FB5] =	sst s9;
	s0 =	simm.s32 @!p0 $0x0  }
0x12: {  	s1 =	sld [smem:$0x3F9B];
	s0 =	simm.s32 @p0 $0x1  }
0x13: {  	[smem:$0x3FB6] =	sst s0;
	s0 =	simm.s32 @!p1 $0x0  }
0x14: {  	s2 =	sld [smem:$0x3F9A];
	s0 =	simm.s32 @p1 $0x1  }
0x15: {  	[smem:$0x3FB7] =	sst s0;
	s0 =	simm.s32 @!p2 $0x0  }
0x16: {  	s3 =	sld [smem:$0x3FDB];
	s0 =	simm.s32 @p2 $0x1  }
0x17: {  	s4 =	simm.s32 $0x1BF5;
	[smem:$0x3FB9] =	sst s0  }
0x18: {  	s0 =	sld [smem:$0x3F9C];
	_ =	swait.ge [sflag:s4], $0x0  }
0x19: {  	s7 =	sld [smem:$0x3F9D]  }
0x1a: {  	s8 =	sadd.s32 $0xFFFFE003, lr  }
0x1b: {  	s9 =	sadd.s32 $0xFFFFFEF7, lr;
	s5 =	simm.s32 $0xFFFFFFFF;
	p2 =	slt.u32 s8, $0xFFFFF086  }
0x1c: {  	p1 =	slt.u32 s9, $0xF7A;
	s5 =	simm.s32 @!p2 $0x0  }
0x1d: {  	s5 =	simm.s32 @p1 $0x1;
	p0 =	seq.s32 s7, s2  }
0x1e: {  	s7 =	smul.u32 @!p0 $0xF7A, s2;
	p2 =	seq.s32 @!p0 s5, $0x0  }
0x1f: {  	s9 =	smul.u32 $0xF7A, s1;
	s8 =	simm.s32 @!p0 $0x1BF5;
	p2 =	por !p2, p0  }
0x20: {  	[sflag:s8] =	ssyncset.s32 @!p0 $0xFFFFF086;
	s6 =	sadd.s32 @!p0 s3, s7;
	s7 =	simm.s32 @!p0 $0x108  }
0x21: {  	s3 =	sadd.s32 s3, s9;
	s6 =	sadd.s32 @!p0 $0x88, s6;
	s7 =	simm.s32 @p2 $0x1082  }
0x22: {  	[simem:s7], [sflag:s8] =	dma.local @!p0 [hbm:s6], $0xF7A  }
0x23: {  	s9 =	sor.u32 $0xD0000000, s2;
	s6 =	simm.s32 $0x108;
	_ =	swait.ge @!p0 [sflag:s8], $0x0  }
0x24: {  	s3 =	sadd.s32 $0x88, s3;
	s6 =	simm.s32 @!p1 $0x1082;
	[sflag:s4] =	ssyncset.s32 $0xFFFFF086  }
0x25: {  	[simem:s6], [sflag:s4] =	dma.local [hbm:s3], $0xF7A  }
0x26: {  	[smem:$0x3F9D] =	sst s1;
	(tag) =	ssettag s2;
	_ =	strace s9  }
0x27: {  	s1 =	sld [smem:$0x3FAD]  }
0x28: {  	s2 =	sld [smem:$0x3FAE]  }
0x29: {  	s4 =	sld [smem:$0x3FB0]  }
0x2a: {  	p0 =	seq.s32 s5, $0x0;
	s5 =	sld [smem:$0x3FB1]  }
0x2b: {  	s6 =	sld [smem:$0x3FB2]  }
0x2c: {  	s7 =	sld [smem:$0x3FB3]  }
0x2d: {  	s3 =	simm.s32 $0x108;
	s8 =	sld [smem:$0x3FB4]  }
0x2e: {  	s3 =	simm.s32 @!p0 $0x1082;
	s9 =	sld [smem:$0x3FB5]  }
0x2f: {  	lr =	sadd.s32 s0, s3;
	s0 =	sld [smem:$0x3FAC]  }
0x30: {  	s3 =	sld [smem:$0x3FAF]  }
0x31: {  	[smem:$0x3FB8] =	sst s10  }
0x32: {  	s10 =	sld [smem:$0x3FB6];
	_ =	sdelay $0x3  }
0x33: {  	p0 =	seq.s32 s10, $0x1;
	s10 =	sld [smem:$0x3FB8];
	_ =	sdelay $0x3  }
0x34: {  	[smem:$0x3FB8] =	sst s10  }
0x35: {  	s10 =	sld [smem:$0x3FB7];
	_ =	sdelay $0x3  }
0x36: {  	p1 =	seq.s32 s10, $0x1;
	s10 =	sld [smem:$0x3FB8];
	_ =	sdelay $0x3  }
0x37: {  	[smem:$0x3FB8] =	sst s10  }
0x38: {  	s10 =	sld [smem:$0x3FB9]  }
0x39: {  	_ = 	snop;
	(pc) =	sbr.ind lr, $3  }
0x3a: {  	_ = 	snop  }
0x3b: {  	_ = 	snop  }
0x3c: {  	p2 =	seq.s32 s10, $0x1;
	s10 =	sld [smem:$0x3FB8]  }
0x3d: {  	_ =	shalt  }
0x3e: {  	_ =	shalt  }
0x3f: {  	_ =	shalt  }
0x40: {  	_ =	shalt  }
0x41: {  	_ =	shalt  }
0x42: {  	_ =	shalt  }
0x43: {  	_ =	shalt  }
0x44: {  	_ =	shalt  }
0x45: {  	_ =	shalt  }
0x46: {  	_ =	shalt  }
0x47: {  	_ =	shalt  }
0x48: {  	_ =	shalt  }
0x49: {  	_ =	shalt  }
0x4a: {  	_ =	shalt  }
0x4b: {  	_ =	shalt  }
0x4c: {  	_ =	shalt  }
0x4d: {  	_ =	shalt  }
0x4e: {  	_ =	shalt  }
0x4f: {  	_ =	shalt  }
0x50: {  	_ =	shalt  }
0x51: {  	_ =	shalt  }
0x52: {  	_ =	shalt  }
0x53: {  	_ =	shalt  }
0x54: {  	_ =	shalt  }
0x55: {  	_ =	shalt  }
0x56: {  	_ =	shalt  }
0x57: {  	_ =	shalt  }
0x58: {  	_ =	shalt  }
0x59: {  	_ =	shalt  }
0x5a: {  	_ =	shalt  }
0x5b: {  	_ =	shalt  }
0x5c: {  	_ =	shalt  }
0x5d: {  	_ =	shalt  }
0x5e: {  	_ =	shalt  }
0x5f: {  	_ =	shalt  }
0x60: {  	_ =	shalt  }
0x61: {  	_ =	shalt  }
0x62: {  	_ =	shalt  }
0x63: {  	_ =	shalt  }
0x64: {  	_ =	shalt  }
0x65: {  	_ =	shalt  }
0x66: {  	_ =	shalt  }
0x67: {  	_ =	shalt  }
0x68: {  	_ =	shalt  }
0x69: {  	_ =	shalt  }
0x6a: {  	_ =	shalt  }
0x6b: {  	_ =	shalt  }
0x6c: {  	_ =	shalt  }
0x6d: {  	_ =	shalt  }
0x6e: {  	_ =	shalt  }
0x6f: {  	_ =	shalt  }
0x70: {  	_ =	shalt  }
0x71: {  	_ =	shalt  }
0x72: {  	_ =	shalt  }
0x73: {  	_ =	shalt  }
0x74: {  	_ =	shalt  }
0x75: {  	_ =	shalt  }
0x76: {  	_ =	shalt  }
0x77: {  	_ =	shalt  }
0x78: {  	_ =	shalt  }
0x79: {  	_ =	shalt  }
0x7a: {  	_ =	shalt  }
0x7b: {  	_ =	shalt  }
0x7c: {  	_ =	shalt  }
0x7d: {  	_ =	shalt  }
0x7e: {  	_ =	shalt  }
0x7f: {  	_ =	shalt  }
0x80: {  	_ =	shalt  }
0x81: {  	_ =	shalt  }
0x82: {  	_ =	shalt  }
0x83: {  	_ =	shalt  }
0x84: {  	_ =	shalt  }
0x85: {  	_ =	shalt  }
0x86: {  	_ =	shalt  }
0x87: {  	_ =	shalt  }
.Lfunc_end0:
.L_simem_size_0:
called_computation_lowered:
.L_overlay_start_0:
0x88: {  	s0 =	sld [smem:$0x3FD9]  }
0x89: {  	s1 =	sld [smem:$0x3FFE];
	_ =	sdelay $0x3  }
0x8a: {  	s0 =	sadd.s32 s1, s0  }
0x8b: {  	[smem:$0x3FC4] =	sst s0  }
0x8c: {  	_ = 	snop  }
0x8d: {  	s0 =	sld [smem:$0x3FC8]  }
0x8e: {  	s16 =	sld [smem:$0x3FD0];
	(tm) =	ssettm $0x1  }
0x8f: {  	s2 =	sld [smem:$0x3FFB];
	_ =	sdelay $0x3  }
0x90: {  	_ =	strace s2  }
0x91: {  	s2 =	sld [smem:$0x3FFC];
	_ =	sdelay $0x3  }
0x92: {  	_ =	strace s2  }
0x93: {  	s2 =	sld [smem:$0x3FFD];
	_ =	sdelay $0x3  }
0x94: {  	_ =	strace s2  }
0x95: {  	_ =	strace $0x8FFFFFFF  }
0x96: {  	s17 =	sld [smem:$0x3FDB];
	_ =	sdelay $0x1  }
0x97: {  	s3 =	simm.s32 $_scs_section_size  }
0x98: {  	s4 =	simm.s32 $_size__tile_overlayer_lowered;
	s5 =	simm.s32 $_tile_overlayer_lowered  }
0x99: {  	s20 =	simm.s32 $0x1BFF;
	s19 =	sshll.u32 s5, $0x1;
	s2 =	sadd.s32 s3, s17  }
0x9a: {  	s6 =	simm.s32 $0x0;
	s18 =	sshll.u32 s4, $0x1;
	s4 =	sadd.s32 s19, s2  }
0x9b: {  	[timem:s6], [sflag:s20] =	dma.local [hbm:s4], s18  }
0x9c: {  	_ =	swait.ge [sflag:s20], s18  }
0x9d: {  	s3 =	ssub.s32 $0x0, s18;
	[sflag:s20] =	ssyncset.done $0x0  }
0x9e: {  	[sflag:s20] =	ssyncadd.s32 s3;
	_ =	sdelay $0x1  }
0x9f: {  	s21 =	simm.s32 $0x1B8B  }
0xa0: {  	_ =	swait.ge [sflag:s21], $0x1  }
0xa1: {  	[sflag:s21] =	ssyncset.done $0x0  }
0xa2: {  	s23 =	simm.s32 $0x1B8E;
	s22 =	sld [smem:$0x3FFE];
	[sflag:s21] =	ssyncadd.s32 $0xFFFFFFFF  }
0xa3: {  	s24 =	simm.s32 $execute0_lowered;
	[smem:$0x3FD2] =	sst s23  }
0xa4: {  	s4 =	sshll.u32 s24, $0x1;
	_ =	strace $0x80000046;
	[dreg:$0x1] =	wrdreg $0xFFFFFFFF  }
0xa5: {  	s25 =	simm.s32 $_size_execute0_lowered;
	s2 =	sadd.s32 s2, s4;
	[dreg:$0x0] =	wrdreg $0x0  }
0xa6: {  	s4 =	sshll.u32 s25, $0x1;
	[dreg:$0x2] =	wrdreg s2  }
0xa7: {  	[dreg:$0x3] =	wrdreg s4  }
0xa8: {  	[dreg:$0x4] =	wrdreg $0xC0  }
0xa9: {  	_ =	task [dreg:s6], $0x5FFFF  }
0xaa: {  	[dreg:$0x1] =	wrdreg $0xFFFFFFFF  }
0xab: {  	[dreg:$0x0] =	wrdreg $0x60  }
0xac: {  	[dreg:$0x2] =	wrdreg s0  }
0xad: {  	[dreg:$0x3] =	wrdreg s22  }
0xae: {  	[dreg:$0x4] =	wrdreg s16  }
0xaf: {  	[dreg:$0x5] =	wrdreg $0x12800  }
0xb0: {  	[dreg:$0x6] =	wrdreg $0x9  }
0xb1: {  	_ =	task.clear_ibuf [dreg:s6], $0x7FFFF;
	_ =	strace $0x90000046  }
0xb2: {  	s26 =	simm.s32 $0x9;
	_ =	strace $0x80000048  }
0xb3: {  	_ =	swait.ge [sflag:s26], $0x1  }
0xb4: {  	[sflag:s26] =	ssyncadd.s32 $0xFFFFFFFF  }
0xb5: {  	_ =	strace $0x90000048  }
0xb6: {  	_ =	sfence  }
0xb7: {  	s28 =	sld [smem:$0x0];
	_ =	sdelay $0x1  }
0xb8: {  	s29 =	srdreg.scid  }
0xb9: {  	s30 =	sshll.u32 s29, $0xD;
	s31 =	sshrl.u32 s29, $0x2  }
0xba: {  	s1 =	sand.u32 $0x1, s29;
	s2 =	sand.u32 $0x4000, s30;
	s0 =	sadd.s32 s31, s28  }
0xbb: {  	s1 =	sor.u32 s2, s1;
	s0 =	sshll.u32 s0, $0x11  }
0xbc: {  	s0 =	sor.u32 s0, s1  }
0xbd: {  	s0 =	sadd.s32 $0x8F2B, s0  }
0xbe: {  	[sflag:s0] =	ssyncadd.remote.s32 $0x1  }
0xbf: {  	_ =	sfence.sel $0xFFFF  }
0xc0: {  	[dreg:$0x0] =	wrdreg $0xFFFFFFFF;
	(pc) =	sbr.abs _section_cstart, $3  }
0xc1: {  	[dreg:$0x1] =	wrdreg $0xFFFFFFFF  }
0xc2: {  	_ =	task.clear_ibuf [dreg:s6], $0x2FFFF;
	_ =	strace $0x9FFFFFFF  }
0xc3: {  	(tm) =	ssettm $0x7FFFFFFF  }
tec
execute0_lowered:
.L_overlay_start_1:
0x0: {  	(tag) =	ssettag $0x1  }
0x1: {  	s4 =	rddreg [dreg:$0x0]  }
0x2: {  	s3 =	rddreg [dreg:$0x1]  }
0x3: {  	s2 =	rddreg [dreg:$0x2]  }
0x4: {  	s5 =	rddreg [dreg:$0x3]  }
0x5: {  	s0 =	rddreg [dreg:$0x4];
	s6 =	simm.s32 $0x0;
	s1 =	stileid.u32  }
0x6: {  	[smem:$0x7FF] =	sst s6;
	s7 =	sadd.s32 $0x200, s3;
	s3 =	sshll.u32 s1, $0x8  }
0x7: {  	s9 =	simm.s32 $0xA80;
	_ =	strace $0x80000047;
	s8 =	sadd.s32 s7, s3  }
0x8: {  	[tilespmem:s9], [sflag:$0x1] =	stream.linear.gather [hbm4b:s8+s6], $0x800, $0x38;
	[tilespmem:$0x1290] =	vst v63  }
0x9: {  	s19 =	simm.s32 $0x2  }
0xa: {  	[tilespmem:s6], [sflag:$0x2] =	stream.linear.gather [hbm4b:s4+s6], $0x80, $0x38;
	[tilespmem:$0x1290] =	vst v63  }
0xb: {  	_ =	swait.ge [sflag:s19], $0x80  }
0xc: {  	[sflag:s19] =	ssyncset.done $0x0  }
0xd: {  	[sflag:s19] =	ssyncadd.s32 $0xFFFFFF80  }
0xe: {  	v0 =	vld [tilespmem:$0x0];
	_ =	sdelay $0x4  }
0xf: {  	(v2sf) =	vpush v0, $0x0  }
0x10: {  	(v2sf) =	vpush v0, $0x1  }
0x11: {  	(v2sf) =	vpush v0, $0x2;
	_ =	sdelay $0x1  }
0x12: {  	(v2sf) =	vpush v0, $0x3;
	_ =	sdelay $0x1  }
0x13: {  	(v2sf) =	vpush v0, $0x4  }
0x14: {  	(v2sf) =	vpush v0, $0x5;
	_ =	sdelay $0x2  }
0x15: {  	p0 =	seq.s32 s1, $0x0;
	(v2sf) =	vpush v0, $0x6  }
0x16: {  	p1 =	sgt.u32 s1, $0x1;
	p2 =	sgt.u32 s1, $0x2;
	s4 =	simm.s32 @!p0 $0x0  }
0x17: {  	p3 =	sgt.u32 s1, $0x3;
	p5 =	sgt.u32 s1, $0x9;
	s4 =	simm.s32 @p0 $0x1;
	(v2sf) =	vpush v0, $0x7  }
0x18: {  	s24 =	simm.s32 @!p3 $0x0;
	[smem:$0x7FD] =	sst s4;
	s4 =	simm.s32 @!p1 $0x0;
	(v2sf) =	vpush v0, $0x8  }
0x19: {  	p4 =	sgt.u32 s1, $0xA;
	s24 =	simm.s32 @p3 $0x1;
	s4 =	simm.s32 @p1 $0x1;
	(v2sf) =	vpush v0, $0x9  }
0x1a: {  	[smem:$0x7F5] =	sst s4;
	s4 =	simm.s32 @!p2 $0x0;
	s20 =	spop (v2sf)  }
0x1b: {  	[smem:$0x7F7] =	sst s24;
	s4 =	simm.s32 @p2 $0x1;
	(v2sf) =	vpush v0, $0xA;
	s8 =	spop (v2sf)  }
0x1c: {  	[smem:$0x7F6] =	sst s4;
	s9 =	smov.u32 s20;
	s10 =	spop (v2sf)  }
0x1d: {  	(v2sf) =	vpush v0, $0xB;
	s4 =	sadd.s32 s8, s20;
	s9 =	simm.s32 @p0 $0x0;
	s8 =	simm.s32 @!p1 $0x0  }
0x1e: {  	p0 =	sgt.u32 s1, $0x4;
	p1 =	sgt.u32 s1, $0x5;
	s23 =	spop (v2sf)  }
0x1f: {  	(v2sf) =	vpush v0, $0xC;
	s24 =	smov.u32 s10;
	s25 =	simm.s32 @!p0 $0x0;
	s8 =	sadd.s32 s8, s9  }
0x20: {  	(v2sf) =	vpush v0, $0xD;
	s11 =	spop (v2sf);
	s25 =	simm.s32 @p0 $0x1;
	s24 =	simm.s32 @!p2 $0x0  }
0x21: {  	s9 =	smov.u32 s23;
	p2 =	sgt.u32 s1, $0x6;
	s12 =	spop (v2sf)  }
0x22: {  	[smem:$0x7F8] =	sst s25;
	s25 =	simm.s32 @!p1 $0x0;
	s8 =	sadd.s32 s24, s8  }
0x23: {  	(v2sf) =	vpush v0, $0xE;
	s9 =	simm.s32 @!p3 $0x0;
	s24 =	simm.s32 @!p2 $0x0;
	p3 =	sgt.u32 s1, $0xB  }
0x24: {  	s13 =	spop (v2sf);
	s25 =	simm.s32 @p1 $0x1;
	s24 =	simm.s32 @p2 $0x1  }
0x25: {  	s8 =	sadd.s32 s9, s8;
	s9 =	smov.u32 s12;
	[smem:$0x7F9] =	sst s25  }
0x26: {  	s14 =	spop (v2sf);
	s25 =	smov.u32 s11;
	[smem:$0x7FA] =	sst s24  }
0x27: {  	s9 =	simm.s32 @!p1 $0x0;
	p1 =	seq.s32 s1, $0xF;
	s15 =	spop (v2sf)  }
0x28: {  	s25 =	simm.s32 @!p0 $0x0;
	p0 =	sgt.u32 s1, $0x7;
	s16 =	spop (v2sf)  }
0x29: {  	s8 =	sadd.s32 s25, s8;
	s25 =	smov.u32 s13;
	s26 =	simm.s32 @!p0 $0x0  }
0x2a: {  	s17 =	spop (v2sf);
	s8 =	sadd.s32 s9, s8;
	s25 =	simm.s32 @!p2 $0x0  }
0x2b: {  	s9 =	smov.u32 s14;
	s26 =	simm.s32 @p0 $0x1;
	p2 =	sgt.u32 s1, $0xD  }
0x2c: {  	s22 =	spop (v2sf);
	[smem:$0x7FB] =	sst s26;
	s8 =	sadd.s32 s25, s8  }
0x2d: {  	s9 =	simm.s32 @!p0 $0x0;
	s25 =	smov.u32 s15;
	p0 =	sgt.u32 s1, $0x8  }
0x2e: {  	s18 =	spop (v2sf);
	s26 =	simm.s32 @!p0 $0x0;
	s8 =	sadd.s32 s9, s8  }
0x2f: {  	s25 =	simm.s32 @!p0 $0x0;
	s9 =	smov.u32 s16;
	s21 =	spop (v2sf)  }
0x30: {  	s26 =	simm.s32 @p0 $0x1;
	s8 =	sadd.s32 s25, s8;
	s9 =	simm.s32 @!p5 $0x0  }
0x31: {  	s25 =	smov.u32 s17;
	p0 =	sgt.u32 s1, $0xC;
	s8 =	sadd.s32 s9, s8  }
0x32: {  	s25 =	simm.s32 @!p4 $0x0;
	s9 =	smov.u32 s22;
	s24 =	spop (v2sf)  }
0x33: {  	s8 =	sadd.s32 s25, s8;
	s9 =	simm.s32 @!p3 $0x0;
	s25 =	smov.u32 s18  }
0x34: {  	s8 =	sadd.s32 s9, s8;
	s25 =	simm.s32 @!p0 $0x0;
	s9 =	smov.u32 s21  }
0x35: {  	s8 =	sadd.s32 s25, s8;
	s9 =	simm.s32 @!p2 $0x0;
	s25 =	smov.u32 s24  }
0x36: {  	s8 =	sadd.s32 s9, s8;
	s25 =	simm.s32 @!p1 $0x0  }
0x37: {  	s28 =	sld [smem:$0x7F5];
	s25 =	sadd.s32 s25, s8  }
0x38: {  	[smem:$0x7FC] =	sst s26;
	s26 =	sand.u32 $0xFFFFFFF8, s25  }
0x39: {  	s30 =	sld [smem:$0x7F7];
	p6 =	slt.s32 s26, $0x77F0  }
0x3a: {  	s29 =	sld [smem:$0x7F6];
	s26 =	simm.s32 @!p6 $0x77F0  }
0x3b: {  	p6 =	seq.s32 s28, $0x1;
	s28 =	sld [smem:$0x7F9];
	s31 =	sshrl.u32 s26, $0x3  }
0x3c: {  	s9 =	simm.s32 $0x80;
	s7 =	sadd.s32 s7, s31;
	s31 =	sld [smem:$0x7F8]  }
0x3d: {  	[tilespmem:s9], [sflag:$0x2] =	stream.linear.gather [hbm4b:s7+s6], $0x810, $0x38;
	[tilespmem:$0x1290] =	vst v63  }
0x3e: {  	(v2sf) =	vpush v0, $0xF;
	s6 =	sadd.s32 s10, s4;
	s10 =	simm.s32 @!p6 $0x0;
	p6 =	seq.s32 s29, $0x1  }
0x3f: {  	s29 =	sld [smem:$0x7FA];
	s7 =	sadd.s32 s23, s6;
	s23 =	simm.s32 @!p6 $0x0  }
0x40: {  	p6 =	seq.s32 s30, $0x1;
	s30 =	sld [smem:$0x7FB];
	s8 =	sadd.s32 s11, s7  }
0x41: {  	s23 =	sadd.s32 s10, s23;
	s11 =	simm.s32 @!p6 $0x0;
	p6 =	seq.s32 s31, $0x1  }
0x42: {  	s31 =	sld [smem:$0x7FC];
	s9 =	sadd.s32 s12, s8;
	s23 =	sadd.s32 s11, s23  }
0x43: {  	s12 =	simm.s32 @!p6 $0x0;
	p6 =	seq.s32 s28, $0x1;
	s28 =	sld [smem:$0x7FD]  }
0x44: {  	s10 =	sadd.s32 s13, s9;
	s23 =	sadd.s32 s12, s23;
	s13 =	simm.s32 @!p6 $0x0  }
0x45: {  	p6 =	seq.s32 s29, $0x1;
	s11 =	sadd.s32 s14, s10;
	s23 =	sadd.s32 s13, s23  }
0x46: {  	s14 =	simm.s32 @!p6 $0x0;
	p6 =	seq.s32 s30, $0x1;
	s12 =	sadd.s32 s15, s11  }
0x47: {  	s23 =	sadd.s32 s14, s23;
	s15 =	simm.s32 @!p6 $0x0;
	p6 =	seq.s32 s31, $0x1  }
0x48: {  	s13 =	sadd.s32 s16, s12;
	s23 =	sadd.s32 s15, s23;
	s16 =	simm.s32 @!p6 $0x0  }
0x49: {  	s14 =	sadd.s32 s17, s13;
	s23 =	sadd.s32 s16, s23;
	s17 =	simm.s32 @!p5 $0x0  }
0x4a: {  	s15 =	sadd.s32 s22, s14;
	s23 =	sadd.s32 s17, s23;
	s22 =	simm.s32 @!p4 $0x0  }
0x4b: {  	s16 =	sadd.s32 s18, s15;
	s22 =	sadd.s32 s22, s23;
	s18 =	simm.s32 @!p3 $0x0  }
0x4c: {  	s17 =	sadd.s32 s21, s16;
	s21 =	simm.s32 @!p0 $0x0;
	s23 =	sadd.s32 s18, s22  }
0x4d: {  	s22 =	spop (v2sf);
	p0 =	seq.s32 s28, $0x1;
	s18 =	sadd.s32 s24, s17  }
0x4e: {  	s21 =	sadd.s32 s21, s23;
	s24 =	simm.s32 @!p2 $0x0;
	s23 =	smov.u32 s22  }
0x4f: {  	s21 =	sadd.s32 s24, s21;
	s23 =	simm.s32 @!p1 $0x0;
	s24 =	smov.u32 s4  }
0x50: {  	s24 =	smov.u32 @p0 s20;
	s28 =	sadd.s32 s23, s21  }
0x51: {  	s20 =	sadd.s32 s24, s28  }
0x52: {  	s20 =	ssub.s32 s20, s26  }
0x53: {  	s29 =	ssub.s32 s25, s26;
	s30 =	sadd.s32 $0xF, s20  }
0x54: {  	s25 =	sshra.s32 s29, $0x4;
	s24 =	sshra.s32 s30, $0x4  }
0x55: {  	p0 =	sle.s32 s24, s25  }
.Ltmp0:
0x56: {  	_ = 	snop;
	(pc) =	sbr.rel @p0 .LBB2_4-.Ltmp0, $4  }
0x57: {  	_ =	swait.ge [sflag:s19], $0x810  }
0x58: {  	[sflag:s19] =	ssyncset.done $0x0  }
0x59: {  	s31 =	sshll.u32 s25, $0x6;
	s21 =	sshll.u32 s1, $0x4;
	[sflag:s19] =	ssyncadd.s32 $0xFFFFF7F0  }
0x5a: {  	v4 =	vimm.f32 $-3.000000010e+38;
	v1 =	vmov s29;
	v2 =	vmov s20;
	s20 =	sshll.u32 s25, $0x4;
	s23 =	ssub.s32 s24, s25;
	s24 =	sshra.s32 s31, $0x2  }
0x5b: {  	s26 =	sadd.s32 $0x80, s24  }
0x5c: {  	p1 =	sne.s32 s23, $0x1;
	v5 =	vld [tilespmem:s26+$0x0]  }
.Ltmp1:
0x5d: {  	s19 =	sshll.u32 s25, $0x4;
	v3 =	vlaneseq.u32;
	(pc) =	sbr.rel @!p1 .LBB2_3-.Ltmp1, $4  }
0x5e: {  	v4 =	vor.u32 s19, v3  }
0x5f: {  	vm0 =	vge.s32 v4, v1;
	vm1 =	vlt.s32 v4, v2  }
0x60: {  	vm0 =	vmand vm0, vm1  }
0x61: {  	s25 =	sadd.s32 $0xFFFFFFFF, s23;
	s26 =	sadd.s32 $0x10, s26;
	v4 =	vimm.f32 $-3.000000010e+38;
	v5 =	vnsel vm0, $0xFF61B1E6, v5  }
.LBB2_2:
0x62: {  	v6 =	vld [tilespmem:s26+$0x0];
	p1 =	sne.s32 s25, $0x1;
	s25 =	sadd.s32 $0xFFFFFFFF, s25;
	v4 =	vmax.f32 v4, v5  }
.Ltmp2:
0x63: {  	s19 =	sadd.s32 $0x10, s19;
	(pc) =	sbr.rel @p1 .LBB2_2-.Ltmp2, $4  }
0x64: {  	v5 =	vor.u32 s19, v3  }
0x65: {  	vm0 =	vge.s32 v5, v1;
	vm1 =	vlt.s32 v5, v2  }
0x66: {  	vm0 =	vmand vm0, vm1  }
0x67: {  	s26 =	sadd.s32 $0x10, s26;
	v5 =	vnsel vm0, $0xFF61B1E6, v6  }
.LBB2_3:
0x68: {  	v4 =	vmax.f32 v4, v5  }
.LBB2_4:
0x69: {  	v3 =	vimm.s32 $0xFEDCBA98  }
0x6a: {  	v5 =	vimm.s32 $0x76543210;
	v3 =	vunpack.c.l.s4.s8 v3  }
0x6b: {  	v5 =	vunpack.c.l.s4.s8 v5  }
0x6c: {  	v3 =	vunpack.c.0.s8.s32 v3  }
0x6d: {  	v5 =	vunpack.c.0.s8.s32 v5  }
0x6e: {  	v6 =	vimm.s32 $0xBA98FEDC;
	v3 =	vand.u32 $0xF, v3  }
0x6f: {  	v3 =	vcombine.low v3, v5;
	v5 =	vunpack.c.l.s4.s8 v6;
	v6 =	vimm.s32 $0x32107654  }
0x70: {  	v8 =	vimm.s32 $0xDCFE98BA;
	v6 =	vunpack.c.l.s4.s8 v6  }
0x71: {  	v9 =	vimm.s32 $0x54761032;
	v8 =	vunpack.c.l.s4.s8 v8  }
0x72: {  	v7 =	vperm.xlane v4, v3;
	v5 =	vunpack.c.0.s8.s32 v5;
	v6 =	vunpack.c.0.s8.s32 v6  }
0x73: {  	v9 =	vunpack.c.l.s4.s8 v9  }
0x74: {  	v7 =	vmax.f32 v4, v7;
	v4 =	vcombine.low v6, v5;
	v5 =	vunpack.c.0.s8.s32 v8  }
0x75: {  	v6 =	vunpack.c.0.s8.s32 v9;
	v8 =	vimm.s32 $0xEFCDAB89;
	v9 =	vimm.s32 $0x67452301  }
0x76: {  	v8 =	vunpack.c.l.s4.s8 v8;
	v9 =	vunpack.c.l.s4.s8 v9;
	v10 =	vperm.xlane v7, v4  }
0x77: {  	v5 =	vcombine.low v6, v5  }
0x78: {  	v6 =	vmax.f32 v7, v10;
	v7 =	vunpack.c.0.s8.s32 v8;
	v8 =	vunpack.c.0.s8.s32 v9  }
0x79: {  	v9 =	vperm.xlane v6, v5  }
.Ltmp3:
0x7a: {  	v7 =	vcombine.low v8, v7;
	(pc) =	sbr.rel @p0 .LBB2_13-.Ltmp3, $3  }
0x7b: {  	v6 =	vmax.f32 v6, v9  }
0x7c: {  	v8 =	vperm.xlane v6, v7;
	_ =	sdelay $0x1  }
0x7d: {  	s21 =	sadd.s32 s21, s5;
	s19 =	sadd.s32 s22, s18;
	v6 =	vmax.f32 v6, v8;
	v8 =	vimm.f32 $0.0e+00  }
0x7e: {  	s24 =	sadd.s32 $0x80, s24  }
0x7f: {  	p2 =	sne.s32 s23, $0x1;
	v10 =	vld [tilespmem:s24+$0x0]  }
.Ltmp4:
0x80: {  	_ = 	snop;
	(pc) =	sbr.rel @!p2 .LBB2_6-.Ltmp4, $3  }
0x81: {  	_ =	sdelay $0x1  }
0x82: {  	s22 =	sadd.s32 $0xFFFFFFFF, s23  }
0x83: {  	v8 =	vimm.f32 $0.0e+00;
	v9 =	vlaneseq.u32;
	p0 =	por $0x0, $0x0;
	p1 =	por $0x0, $0x0;
	s23 =	sadd.s32 $0x10, s24;
	v10 =	vsub.f32 v10, v6  }
0x84: {  	_ = 	snop  }
0x85: {  	v10 =	vmul.f32 $1.442695020e+00, v10;
	_ =	sdelay $0x1  }
0x86: {  	(erf) = vpow2.f32 v10;
	_ =	sdelay $0x2  }
0x87: {  	v11 =	vld [tilespmem:s23+$0x0];
	p2 =	sne.s32 s22, $0x1  }
.Ltmp5:
0x88: {  	_ = 	snop;
	(pc) =	sbr.rel @!p2 .LBB2_8-.Ltmp5, $2  }
0x89: {  	_ =	sdelay $0x2  }
0x8a: {  	s22 =	sadd.s32 $0xFFFFFFFF, s22;
	s24 =	sadd.s32 $0x10, s23;
	p0 =	por $0x1, $0x1;
	v10 =	vsub.f32 v11, v6  }
0x8b: {  	_ = 	snop  }
0x8c: {  	v11 =	vld [tilespmem:s24+$0x0];
	p2 =	sne.s32 s22, $0x1;
	v10 =	vmul.f32 $1.442695020e+00, v10  }
.Ltmp6:
0x8d: {  	_ = 	snop;
	(pc) =	sbr.rel @!p2 .LBB2_16-.Ltmp6, $4  }
0x8e: {  	(erf) = vpow2.f32 v10  }
0x8f: {  	v12 =	vor.u32 s20, v9  }
0x90: {  	vm0 =	vge.s32 v12, v1  }
0x91: {  	s23 =	sadd.s32 $0xFFFFFFFF, s22;
	s24 =	sadd.s32 $0x10, s24;
	p1 =	por $0x1, $0x1;
	vm1 =	vlt.s32 v12, v2;
	v10 =	vsub.f32 v11, v6;
	v11 =	vimm.f32 $0.0e+00  }
0x92: {  	s22 =	smov.u32 s20  }
.LBB2_11:
0x93: {  	v12 =	vld [tilespmem:s24+$0x0];
	p2 =	sne.s32 s23, $0x1;
	s23 =	sadd.s32 $0xFFFFFFFF, s23;
	vm0 =	vmand vm0, vm1;
	v13 =	vpop (erf)  }
.Ltmp7:
0x94: {  	v10 =	vmul.f32 $1.442695020e+00, v10;
	v13 =	vnsel vm0, $0x0, v13;
	(pc) =	sbr.rel @p2 .LBB2_11-.Ltmp7, $4  }
0x95: {  	v11 =	vadd.f32 v13, v11  }
0x96: {  	s22 =	sadd.s32 $0x10, s22;
	(erf) = vpow2.f32 v10  }
0x97: {  	v13 =	vor.u32 s22, v9  }
0x98: {  	s24 =	sadd.s32 $0x10, s24;
	vm0 =	vge.s32 v13, v1;
	vm1 =	vlt.s32 v13, v2;
	v10 =	vsub.f32 v12, v6  }
.LBB2_12:
0x99: {  	_ = 	snop  }
0x9a: {  	v10 =	vmul.f32 $1.442695020e+00, v10;
	_ =	sdelay $0x1  }
0x9b: {  	(erf) = vpow2.f32 v10  }
0x9c: {  	s22 =	sadd.s32 @p1 $0x10, s22;
	s23 =	smov.u32 s20  }
0x9d: {  	s23 =	smov.u32 @p1 s22  }
0x9e: {  	vm0 =	vmand @p1 vm0, vm1;
	v12 =	vor.u32 @p0 s23, v9;
	v10 =	vpop @p1 (erf)  }
0x9f: {  	vm1 =	vlt.s32 @p0 v12, v2;
	v10 =	vnsel @p1 vm0, $0x0, v10;
	vm0 =	vge.s32 @p0 v12, v1  }
0xa0: {  	s22 =	sadd.s32 @p0 $0x10, s23;
	vm1 =	vmmov @p0 vm1;
	v10 =	vadd.f32 @p1 v10, v11;
	vm0 =	vmmov @p0 vm0  }
0xa1: {  	s20 =	smov.u32 @p0 s22;
	v11 =	vpop @p0 (erf);
	vm0 =	vmand @p0 vm0, vm1  }
0xa2: {  	v9 =	vor.u32 s20, v9;
	v10 =	vpsel p1, v10, v8;
	v11 =	vnsel @p0 vm0, $0x0, v11  }
0xa3: {  	vm14 =	vge.s32 v9, v1;
	vm15 =	vlt.s32 v9, v2;
	v10 =	vadd.f32 @p0 v11, v10  }
0xa4: {  	vm0 =	vmand vm14, vm15;
	v1 =	vpop (erf)  }
0xa5: {  	v2 =	vpsel p0, v10, v8;
	v1 =	vnsel vm0, $0x0, v1  }
0xa6: {  	v8 =	vadd.f32 v1, v2  }
.LBB2_13:
0xa7: {  	_ = 	snop  }
0xa8: {  	v1 =	vperm.xlane v8, v3;
	_ =	sdelay $0x1  }
0xa9: {  	v1 =	vadd.f32 v1, v8;
	_ =	sdelay $0x1  }
0xaa: {  	v2 =	vperm.xlane v1, v4;
	_ =	sdelay $0x1  }
0xab: {  	v1 =	vadd.f32 v2, v1;
	_ =	sdelay $0x1  }
0xac: {  	v2 =	vperm.xlane v1, v5;
	_ =	sdelay $0x1  }
0xad: {  	v1 =	vadd.f32 v2, v1;
	_ =	sdelay $0x1  }
0xae: {  	v2 =	vperm.xlane v1, v7;
	_ =	sdelay $0x1  }
0xaf: {  	v1 =	vadd.f32 v2, v1  }
0xb0: {  	vm0 =	vcmask $0x3F08  }
0xb1: {  	v1 =	vsel vm0, $0x0, v1;
	vm0 =	vmmov $0x1  }
0xb2: {  	v1 =	vsel vm0, v6, v1  }
0xb3: {  	s20 =	simm.s32 $0x900;
	s28 =	simm.s32 $0x2;
	[tilespmem:$0x900] =	vst v1  }
0xb4: {  	[spmem:s21] =	stream.linear.scatter [tilespmem:s20], [sflag:$0x2], $0x10, $0x38;
	[tilespmem:$0x1290] =	vst v63  }
0xb5: {  	_ =	swait.ge [sflag:s28], $0x10  }
0xb6: {  	[sflag:s28] =	ssyncset.done $0x0  }
0xb7: {  	[sflag:s28] =	ssyncadd.s32 $0xFFFFFFF0  }
0xb8: {  	s29 =	simm.s32 $0x980;
	[bflag:$0x0] =	sbarrier.arrive $0xFFFF  }
0xb9: {  	[tilespmem:s29], [sflag:$0x2] =	stream.linear.gather [spmem:s5], $0x100, $0x38;
	[tilespmem:$0x1290] =	vst v63  }
0xba: {  	_ =	swait.ge [sflag:s28], $0x100  }
0xbb: {  	[sflag:s28] =	ssyncset.done $0x0  }
0xbc: {  	s30 =	simm.s32 $0x1;
	[sflag:s28] =	ssyncadd.s32 $0xFFFFFF00  }
0xbd: {  	_ =	swait.ge [sflag:s30], $0x800  }
0xbe: {  	[sflag:s30] =	ssyncset.done $0x0  }
0xbf: {  	[sflag:s30] =	ssyncadd.s32 $0xFFFFF800  }
0xc0: {  	v2 =	vld [tilespmem:$0x990]  }
0xc1: {  	v1 =	vld [tilespmem:$0x980]  }
0xc2: {  	vm1 =	vcmask $0x704;
	v3 =	vld [tilespmem:$0x9A0]  }
0xc3: {  	v11 =	vbroadcast v0, $0x0;
	v12 =	vmov s4;
	v10 =	vmov s6  }
0xc4: {  	v13 =	vmov s12;
	v14 =	vmov s14;
	s31 =	sshll.u32 s1, $0xB;
	v17 =	vlaneseq.u32;
	v4 =	vld [tilespmem:$0x9B0]  }
0xc5: {  	v16 =	vmov s16;
	v20 =	vor.u32 s31, v17;
	v6 =	vld [tilespmem:$0x9C0];
	v5 =	vbroadcast v2, $0x0  }
0xc6: {  	v0 =	vmov s18;
	vm2 =	vge.s32 v20, v11;
	v7 =	vbroadcast v1, $0x1  }
0xc7: {  	v8 =	vbroadcast v3, $0x0;
	v3 =	vbroadcast v3, $0x1;
	v1 =	vsel vm1, v5, v1;
	v5 =	vld [tilespmem:$0x9D0]  }
0xc8: {  	vm1 =	vmmov $0x3;
	v2 =	vsel vm0, v7, v2;
	vm0 =	vmmov $0x7  }
0xc9: {  	v7 =	vld [tilespmem:$0x9E0];
	v2 =	vsel vm1, v2, v3;
	v3 =	vbroadcast v4, $0x0;
	v4 =	vbroadcast v4, $0x1  }
0xca: {  	v1 =	vsel vm1, v1, v8;
	v8 =	vbroadcast v6, $0x0;
	v6 =	vbroadcast v6, $0x1  }
0xcb: {  	v1 =	vsel vm0, v1, v3;
	v2 =	vsel vm0, v2, v4;
	vm0 =	vmmov $0xf;
	v3 =	vld [tilespmem:$0x9F0]  }
0xcc: {  	vm3 =	vge.s32 v20, v12;
	v2 =	vsel vm0, v2, v6;
	v6 =	vld [tilespmem:$0xA00];
	v4 =	vbroadcast v5, $0x0  }
0xcd: {  	v1 =	vsel vm0, v1, v8;
	vm0 =	vmmov $0x1f;
	v5 =	vbroadcast v5, $0x1  }
0xce: {  	v8 =	vbroadcast v7, $0x0;
	v1 =	vsel vm0, v1, v4;
	v4 =	vbroadcast v7, $0x1;
	v7 =	vld [tilespmem:$0xA10]  }
0xcf: {  	vm1 =	vmmov $0x3f;
	v2 =	vsel vm0, v2, v5;
	v5 =	vld [tilespmem:$0xA20];
	vm0 =	vmmov $0x7f  }
0xd0: {  	v2 =	vsel vm1, v2, v4;
	v4 =	vbroadcast v3, $0x0;
	v3 =	vbroadcast v3, $0x1  }
0xd1: {  	v1 =	vsel vm1, v1, v8;
	v8 =	vbroadcast v6, $0x0;
	v6 =	vbroadcast v6, $0x1  }
0xd2: {  	v1 =	vsel vm0, v1, v4;
	v2 =	vsel vm0, v2, v3;
	vm0 =	vmmov $0xff;
	v3 =	vld [tilespmem:$0xA30]  }
0xd3: {  	v1 =	vsel vm0, v1, v8;
	v2 =	vsel vm0, v2, v6;
	v4 =	vbroadcast v7, $0x0;
	v6 =	vld [tilespmem:$0xA40]  }
0xd4: {  	vm0 =	vmmov $0x1ff;
	v7 =	vbroadcast v7, $0x1;
	v8 =	vbroadcast v5, $0x0  }
0xd5: {  	vm1 =	vmmov $0x3ff;
	v1 =	vsel vm0, v1, v4;
	v4 =	vbroadcast v5, $0x1;
	v5 =	vld [tilespmem:$0xA50]  }
0xd6: {  	v2 =	vsel vm0, v2, v7;
	v7 =	vld [tilespmem:$0xA60];
	vm0 =	vmmov $0x7ff;
	v1 =	vsel vm1, v1, v8  }
0xd7: {  	v2 =	vsel vm1, v2, v4;
	v4 =	vbroadcast v3, $0x0;
	v3 =	vbroadcast v3, $0x1  }
0xd8: {  	v8 =	vld [tilespmem:$0xA70];
	vm1 =	vmmov $0x1fff;
	v9 =	vbroadcast v6, $0x0;
	v6 =	vbroadcast v6, $0x1  }
0xd9: {  	v1 =	vsel vm0, v1, v4;
	v2 =	vsel vm0, v2, v3;
	vm0 =	vmmov $0xfff  }
0xda: {  	v1 =	vsel vm0, v1, v9;
	v2 =	vsel vm0, v2, v6;
	v3 =	vbroadcast v5, $0x1  }
0xdb: {  	v4 =	vbroadcast v5, $0x0;
	v5 =	vbroadcast v7, $0x1;
	vm0 =	vmmov $0x3fff  }
0xdc: {  	v18 =	vbroadcast v7, $0x0;
	v9 =	vmov s7;
	v7 =	vmov s9  }
0xdd: {  	v6 =	vmov s10;
	v19 =	vbroadcast v8, $0x0;
	v2 =	vsel vm1, v2, v3  }
0xde: {  	v3 =	vbroadcast v8, $0x1;
	v15 =	vsel vm1, v1, v4;
	vm1 =	vmmov $0x7fff  }
0xdf: {  	v8 =	vmov s8;
	v4 =	vmov s13;
	v1 =	vsel vm0, v2, v5  }
0xe0: {  	v5 =	vmov s11;
	v2 =	vmov s17;
	v1 =	vsel vm1, v1, v3  }
0xe1: {  	v3 =	vmov s15;
	(erf) = vrcp.f32 v1;
	v1 =	vimm.s32 $0x0  }
0xe2: {  	v21 =	vsel vm2, $0x1, v1;
	v22 =	vsel vm3, $0x1, v1;
	vm2 =	vge.s32 v20, v10  }
0xe3: {  	v21 =	vadd.s32 v22, v21;
	v22 =	vsel vm2, $0x1, v1;
	vm2 =	vge.s32 v20, v9  }
0xe4: {  	v21 =	vadd.s32 v22, v21;
	v22 =	vsel vm2, $0x1, v1;
	vm2 =	vge.s32 v20, v8  }
0xe5: {  	v21 =	vadd.s32 v22, v21;
	v22 =	vsel vm2, $0x1, v1;
	vm2 =	vge.s32 v20, v7  }
0xe6: {  	v21 =	vadd.s32 v22, v21;
	v22 =	vsel vm2, $0x1, v1;
	vm2 =	vge.s32 v20, v6  }
0xe7: {  	v21 =	vadd.s32 v22, v21;
	v22 =	vsel vm2, $0x1, v1;
	vm2 =	vge.s32 v20, v5  }
0xe8: {  	vm3 =	vge.s32 v20, v13;
	v21 =	vadd.s32 v22, v21;
	v22 =	vsel vm2, $0x1, v1  }
0xe9: {  	vm2 =	vge.s32 v20, v4;
	v21 =	vadd.s32 v22, v21;
	v22 =	vsel vm3, $0x1, v1  }
0xea: {  	vm3 =	vge.s32 v20, v14;
	v21 =	vadd.s32 v22, v21;
	v22 =	vsel vm2, $0x1, v1  }
0xeb: {  	vm2 =	vge.s32 v20, v3;
	v21 =	vadd.s32 v22, v21;
	v22 =	vsel vm3, $0x1, v1  }
0xec: {  	vm3 =	vge.s32 v20, v16;
	v21 =	vadd.s32 v22, v21;
	v22 =	vsel vm2, $0x1, v1  }
0xed: {  	s4 =	simm.s32 $0x0;
	v23 =	vsel vm3, $0x1, v1;
	vm2 =	vge.s32 v20, v2;
	v22 =	vadd.s32 v22, v21  }
0xee: {  	v21 =	vld [tilespmem:s4+$0xA80];
	v22 =	vadd.s32 v23, v22;
	v23 =	vsel vm2, $0x1, v1;
	vm2 =	vge.s32 v20, v0  }
0xef: {  	v15 =	vsel vm0, v15, v18;
	v22 =	vadd.s32 v23, v22;
	v23 =	vsel vm2, $0x1, v1  }
0xf0: {  	v18 =	vsel vm1, v15, v19;
	v22 =	vadd.s32 v23, v22  }
0xf1: {  	v15 =	vperm.xlane v18, v22;
	_ =	sdelay $0x1  }
0xf2: {  	v19 =	vsub.f32 v21, v15;
	_ =	sdelay $0x1  }
0xf3: {  	s5 =	sadd.s32 $0x10, s31;
	v15 =	vmov s19;
	v23 =	vmul.f32 $1.442695020e+00, v19  }
0xf4: {  	vm0 =	vlt.s32 v20, v15;
	v19 =	vor.u32 s5, v17  }
0xf5: {  	s2 =	sadd.s32 s2, s3;
	s3 =	simm.s32 $0x40;
	s6 =	simm.s32 $0x80;
	v20 =	vpop (erf);
	vm2 =	vge.s32 v19, v14;
	vm1 =	vge.s32 v19, v16;
	(erf) = vpow2.f32 v23  }
.LBB2_14:
0xf6: {  	p0 =	sne.s32 s6, $0x1FC0;
	vm3 =	vge.s32 v19, v11;
	vm4 =	vge.s32 v19, v12;
	vm5 =	vge.s32 v19, v13  }
0xf7: {  	v23 =	vsel vm3, $0x1, v1;
	v24 =	vsel vm4, $0x1, v1;
	vm3 =	vge.s32 v19, v10  }
0xf8: {  	v23 =	vadd.s32 v24, v23;
	v24 =	vsel vm3, $0x1, v1;
	vm3 =	vge.s32 v19, v9  }
0xf9: {  	v23 =	vadd.s32 v24, v23;
	v24 =	vsel vm3, $0x1, v1;
	vm3 =	vge.s32 v19, v8  }
0xfa: {  	v23 =	vadd.s32 v24, v23;
	v24 =	vsel vm3, $0x1, v1;
	vm3 =	vge.s32 v19, v7  }
0xfb: {  	v23 =	vadd.s32 v24, v23;
	v24 =	vsel vm3, $0x1, v1;
	vm3 =	vge.s32 v19, v6  }
0xfc: {  	v23 =	vadd.s32 v24, v23;
	v24 =	vsel vm3, $0x1, v1;
	vm3 =	vge.s32 v19, v5  }
0xfd: {  	v22 =	vperm.xlane v20, v22;
	v23 =	vadd.s32 v24, v23;
	v24 =	vsel vm3, $0x1, v1  }
0xfe: {  	vm3 =	vge.s32 v19, v4;
	v23 =	vadd.s32 v24, v23;
	v24 =	vsel vm5, $0x1, v1;
	v25 =	vpop (erf)  }
0xff: {  	v23 =	vadd.s32 v24, v23;
	v24 =	vsel vm3, $0x1, v1;
	v22 =	vmul.f32 v25, v22  }
0x100: {  	v23 =	vadd.s32 v24, v23;
	v24 =	vsel vm2, $0x1, v1;
	vm2 =	vge.s32 v19, v3  }
0x101: {  	v23 =	vadd.s32 v24, v23;
	v24 =	vsel vm2, $0x1, v1;
	v21 =	vsel vm0, v22, v21  }
0x102: {  	vm0 =	vge.s32 v19, v2;
	v22 =	vadd.s32 v24, v23;
	v23 =	vsel vm1, $0x1, v1;
	[tilespmem:s4+$0xA80] =	vst v21;
	s4 =	sshra.s32 s3, $0x2;
	s3 =	smov.u32 s6  }
0x103: {  	v21 =	vld [tilespmem:s4+$0xA80];
	v22 =	vadd.s32 v23, v22;
	v23 =	vsel vm0, $0x1, v1;
	vm0 =	vge.s32 v19, v0  }
0x104: {  	v22 =	vadd.s32 v23, v22;
	v23 =	vsel vm0, $0x1, v1  }
0x105: {  	v22 =	vadd.s32 v23, v22  }
0x106: {  	v23 =	vperm.xlane v18, v22;
	_ =	sdelay $0x1  }
.Ltmp8:
0x107: {  	v23 =	vsub.f32 v21, v23;
	(pc) =	sbr.rel @p0 .LBB2_14-.Ltmp8, $4  }
0x108: {  	_ = 	snop  }
0x109: {  	s5 =	sadd.s32 $0x10, s5;
	v23 =	vmul.f32 $1.442695020e+00, v23  }
0x10a: {  	vm0 =	vlt.s32 v19, v15;
	v19 =	vor.u32 s5, v17  }
0x10b: {  	s6 =	sadd.s32 $0x40, s6;
	vm2 =	vge.s32 v19, v14;
	vm1 =	vge.s32 v19, v16;
	(erf) = vpow2.f32 v23  }
0x10c: {  	vm3 =	vge.s32 v19, v11;
	vm4 =	vge.s32 v19, v12;
	vm5 =	vge.s32 v19, v13  }
0x10d: {  	vm15 =	vge.s32 v19, v10;
	v11 =	vsel vm3, $0x1, v1;
	v12 =	vsel vm4, $0x1, v1  }
0x10e: {  	vm6 =	vge.s32 v19, v9;
	v41 =	vsel vm15, $0x1, v1;
	v40 =	vadd.s32 v12, v11  }
0x10f: {  	vm7 =	vge.s32 v19, v8;
	v43 =	vsel vm6, $0x1, v1;
	v42 =	vadd.s32 v41, v40  }
0x110: {  	vm8 =	vge.s32 v19, v7;
	v45 =	vsel vm7, $0x1, v1;
	v44 =	vadd.s32 v43, v42  }
0x111: {  	vm9 =	vge.s32 v19, v6;
	v47 =	vsel vm8, $0x1, v1;
	v46 =	vadd.s32 v45, v44  }
0x112: {  	vm10 =	vge.s32 v19, v5;
	v49 =	vsel vm9, $0x1, v1;
	v48 =	vadd.s32 v47, v46  }
0x113: {  	v52 =	vperm.xlane v20, v22;
	v51 =	vsel vm10, $0x1, v1;
	v50 =	vadd.s32 v49, v48  }
0x114: {  	vm11 =	vge.s32 v19, v4;
	v53 =	vsel vm5, $0x1, v1;
	v5 =	vadd.s32 v51, v50;
	v54 =	vpop (erf)  }
0x115: {  	v55 =	vsel vm11, $0x1, v1;
	v5 =	vadd.s32 v53, v5;
	v4 =	vmul.f32 v54, v52  }
0x116: {  	v56 =	vsel vm2, $0x1, v1;
	vm12 =	vge.s32 v19, v3;
	v5 =	vadd.s32 v55, v5  }
0x117: {  	v58 =	vsel vm12, $0x1, v1;
	v57 =	vadd.s32 v56, v5;
	v4 =	vsel vm0, v4, v21  }
0x118: {  	s3 =	sshra.s32 s3, $0x2;
	v59 =	vsel vm1, $0x1, v1;
	vm13 =	vge.s32 v19, v2;
	v3 =	vadd.s32 v58, v57;
	[tilespmem:s4+$0xA80] =	vst v4  }
0x119: {  	vm14 =	vge.s32 v19, v0;
	v61 =	vsel vm13, $0x1, v1;
	v60 =	vld [tilespmem:s3+$0xA80];
	v3 =	vadd.s32 v59, v3  }
0x11a: {  	v63 =	vsel vm14, $0x1, v1;
	v62 =	vadd.s32 v61, v3  }
0x11b: {  	v0 =	vadd.s32 v63, v62  }
0x11c: {  	v1 =	vperm.xlane v18, v0;
	_ =	sdelay $0x1  }
0x11d: {  	v1 =	vsub.f32 v60, v1;
	_ =	sdelay $0x1  }
0x11e: {  	v1 =	vmul.f32 $1.442695020e+00, v1;
	_ =	sdelay $0x1  }
0x11f: {  	(erf) = vpow2.f32 v1;
	_ =	sdelay $0x7  }
0x120: {  	v0 =	vperm.xlane v20, v0  }
0x121: {  	v1 =	vpop (erf)  }
0x122: {  	v0 =	vmul.f32 v1, v0  }
0x123: {  	vm15 =	vlt.s32 v19, v15  }
0x124: {  	v0 =	vsel vm15, v0, v60  }
0x125: {  	s29 =	simm.s32 $0x0;
	s30 =	simm.s32 $0xA80;
	s31 =	simm.s32 $0x2;
	[tilespmem:s3+$0xA80] =	vst v0  }
0x126: {  	[hbm4b:s2+s29] =	stream.linear.scatter [tilespmem:s30], [sflag:$0x2], $0x800, $0x38;
	[tilespmem:$0x1290] =	vst v63  }
0x127: {  	_ =	swait.ge [sflag:s31], $0x800  }
0x128: {  	[sflag:s31] =	ssyncset.done $0x0  }
0x129: {  	[sflag:s31] =	ssyncadd.s32 $0xFFFFF800  }
0x12a: {  	_ =	sfence.sel $0x180000  }
0x12b: {  	[bflag:$0x0] =	sbarrier.arrive $0xFFFF  }
0x12c: {  	p0 =	sne.s32 s1, $0x0;
	_ =	strace $0x90000047  }
0x12d: {  	s0 =	sadd.s32 @!p0 $0x100000, s0;
	[bflag:$0x2] =	sbarrier.arrive $0xFFFF  }
0x12e: {  	[sflag:s0] =	ssyncadd.tile.s32 @!p0 $0x1;
	_ =	shalt  }
.LBB2_6:
.Ltmp9:
0x12f: {  	(pc) =	sbr.rel .LBB2_12-.Ltmp9, $2  }
0x130: {  	_ =	sdelay $0x2  }
0x131: {  	v11 =	vimm.f32 $0.0e+00;
	s22 =	smov.u32 s20  }
.LBB2_8:
.Ltmp10:
0x132: {  	(pc) =	sbr.rel .LBB2_12-.Ltmp10, $2  }
0x133: {  	_ =	sdelay $0x2  }
0x134: {  	v11 =	vimm.f32 $0.0e+00;
	s22 =	smov.u32 s20  }
.LBB2_16:
.Ltmp11:
0x135: {  	(pc) =	sbr.rel .LBB2_12-.Ltmp11, $2  }
0x136: {  	_ =	sdelay $0x2  }
0x137: {  	v11 =	vimm.f32 $0.0e+00;
	s22 =	smov.u32 s20  }
.Lfunc_end2:
_tile_overlayer_lowered:
.L_overlay_start_2:
0x138: {  	(tag) =	ssettag $0x2  }
0x139: {  	s0 =	rddreg [dreg:$0x0];
	s2 =	stileid.u32  }
0x13a: {  	s1 =	rddreg [dreg:$0x1];
	p0 =	sne.s32 s2, $0x0  }
0x13b: {  	s3 =	rddreg [dreg:$0x2];
	[bflag:$0x3] =	sbarrier.arrive $0xFFFF;
	s2 =	simm.s32 @!p0 $0x1C02  }
0x13c: {  	[timem:s3], [sflag:s2] =	dma.local @!p0 [hbm:s0], s1  }
0x13d: {  	s0 =	simm.s32 @!p0 $0x2  }
0x13e: {  	_ =	swait.ge @!p0 [sflag:s0], s1  }
0x13f: {  	s1 =	ssub.s32 @!p0 $0x0, s1;
	[sflag:s0] =	ssyncset.done @!p0 $0x0  }
0x140: {  	[sflag:s0] =	ssyncadd.s32 @!p0 s1  }
0x141: {  	[bflag:$0x3] =	sbarrier.arrive $0xFFFF  }
0x142: {  	_ =	shalt  }

</sc_bundles>
